<compile_context>
chip_gen: v7x
topology: tpu7x:2x2x1
jax: 0.10.2.dev20260603
libtpu: 0.0.44.dev20260713+nightly
codegen_flags: <defaults>
</compile_context>

<pallas_src>
import functools

import jax
import jax.numpy as jnp
from jax import lax
from jax.experimental import pallas as pl
from jax.experimental.pallas import tpu as pltpu
from jax.experimental.pallas import tpu_sc as plsc

_B, _L, _D, _H, _C = 16384, 200, 32, 64, 2
_NC, _NS = 2, 16
_NW = _NC * _NS
_BPW = _B // _NW
_CHUNKS = ((0, 128), (128, 72))
_G = 4
_NG = _BPW // _G
_GL = _G * _L
_INV_L = 1.0 / _L

_mesh = plsc.VectorSubcoreMesh(core_axis_name="c", subcore_axis_name="s")


@functools.partial(
    pl.kernel,
    mesh=_mesh,
    out_type=jax.ShapeDtypeStruct((_B, _D), jnp.float32),
    scratch_types=[
        pltpu.VMEM((2, _G, _L), jnp.int32),
        pltpu.VMEM((2, _GL, _D), jnp.float32),
        pltpu.VMEM((_G, _D), jnp.float32),
        pltpu.SemaphoreType.DMA,
    ],
    compiler_params=pltpu.CompilerParams(use_tc_tiling_on_sc=False),
)
def _pool(x_hbm, table_hbm, h_hbm, idx_v, rows_v, h_v, sem):
    c = lax.axis_index("c")
    s = lax.axis_index("s")
    wid = s * _NC + c
    base = wid * _BPW

    def fire(g, buf):
        pltpu.sync_copy(
            x_hbm.at[pl.ds(base + g * _G, _G)], idx_v.at[buf]
        )
        for r in range(_G):
            for off, sz in _CHUNKS:
                pltpu.async_copy(
                    table_hbm.at[idx_v.at[buf, r, pl.ds(off, sz)]],
                    rows_v.at[buf, pl.ds(r * _L + off, sz)],
                    sem,
                )

    fire(0, 0)

    def step(g, carry):
        buf = lax.rem(g, 2)

        @pl.when(g < _NG - 1)
        def _():
            fire(g + 1, lax.rem(g + 1, 2))

        pltpu.make_async_copy(
            table_hbm.at[pl.ds(0, _GL)], rows_v.at[buf], sem
        ).wait()

        for r in range(_G):
            def red(jj, accs, r=r):
                accs = list(accs)
                for u in range(8):
                    j = r * _L + jj * 8 + u
                    p = u % 4
                    accs[2 * p] = accs[2 * p] + rows_v[buf, j, pl.ds(0, 16)]
                    accs[2 * p + 1] = accs[2 * p + 1] + rows_v[buf, j, pl.ds(16, 16)]
                return tuple(accs)

            zero = jnp.zeros((16,), jnp.float32)
            accs = lax.fori_loop(0, _L // 8, red, (zero,) * 8)
            lo = (accs[0] + accs[2]) + (accs[4] + accs[6])
            hi = (accs[1] + accs[3]) + (accs[5] + accs[7])
            h_v[r, pl.ds(0, 16)] = lo * _INV_L
            h_v[r, pl.ds(16, 16)] = hi * _INV_L

        pltpu.sync_copy(h_v, h_hbm.at[pl.ds(base + g * _G, _G)])
        return carry

    lax.fori_loop(0, _NG, step, 0)


def _mlp_body(h_ref, w1t_ref, b1_ref, w2t_ref, b2_ref, o_ref):
    h = h_ref[...]
    z = jnp.dot(h, w1t_ref[...], preferred_element_type=jnp.float32)
    z = jnp.maximum(z + b1_ref[...], 0.0)
    o_ref[...] = jnp.dot(z, w2t_ref[...], preferred_element_type=jnp.float32) + b2_ref[...]


def _mlp(h, W1, b1, W2, b2):
    blk = 2048
    return pl.pallas_call(
        _mlp_body,
        grid=(_B // blk,),
        in_specs=[
            pl.BlockSpec((blk, _D), lambda i: (i, 0)),
            pl.BlockSpec((_D, _H), lambda i: (0, 0)),
            pl.BlockSpec((1, _H), lambda i: (0, 0)),
            pl.BlockSpec((_H, _C), lambda i: (0, 0)),
            pl.BlockSpec((1, _C), lambda i: (0, 0)),
        ],
        out_specs=pl.BlockSpec((blk, _C), lambda i: (i, 0)),
        out_shape=jax.ShapeDtypeStruct((_B, _C), jnp.float32),
    )(h, W1.T, b1.reshape(1, _H), W2.T, b2.reshape(1, _C))


def kernel(x, table, W1, b1, W2, b2):
    h = _pool(x, table)
    return _mlp(h, W1, b1, W2, b2)

# --- scband reference (transcript-rebuilt; emitter-appended) ---
"""Pipeline reference for scband-simple-model-12558484374104 (READ-ONLY COPY).

The authoritative reference and input builder live on the scoring server;
editing this copy changes nothing except your own understanding.
"""

import jax, jax.numpy as jnp
import numpy as np

VOCAB = 1000000
EMBED_DIM = 32
HIDDEN_DIM = 64
NUM_CLASSES = 2
BATCH = 16384
HIST = 200

def setup_inputs(seed: int = 0) -> dict:
    key = jax.random.key(seed)
    k_idx, k_emb, k_w1, k_b1, k_w2, k_b2 = jax.random.split(key, 6)
    x = jax.random.randint(k_idx, (BATCH, HIST), 0, VOCAB, dtype=jnp.int64 if jax.config.jax_enable_x64 else jnp.int32)
    x = x.astype(jnp.int32)
    table = jax.random.normal(k_emb, (VOCAB, EMBED_DIM), dtype=jnp.float32)
    # fc1: Linear(embed_dim, hidden_dim) -> weight [hidden, embed], bias [hidden]
    W1 = jax.random.normal(k_w1, (HIDDEN_DIM, EMBED_DIM), dtype=jnp.float32) * (1.0 / np.sqrt(EMBED_DIM))
    b1 = jax.random.normal(k_b1, (HIDDEN_DIM,), dtype=jnp.float32) * 0.01
    W2 = jax.random.normal(k_w2, (NUM_CLASSES, HIDDEN_DIM), dtype=jnp.float32) * (1.0 / np.sqrt(HIDDEN_DIM))
    b2 = jax.random.normal(k_b2, (NUM_CLASSES,), dtype=jnp.float32) * 0.01
    return {"x": x, "table": table, "W1": W1, "b1": b1, "W2": W2, "b2": b2}

def reference(x, table, W1, b1, W2, b2):
    # embedding lookup: [B, L] -> [B, L, D]
    emb = jnp.take(table, x, axis=0)
    # mean over sequence dim
    h = emb.mean(axis=1)
    # fc1 + relu
    h = h @ W1.T + b1
    h = jnp.maximum(h, 0.0)
    # fc2
    out = h @ W2.T + b2
    return out

if __name__ == "__main__":
    import jax
    _d = setup_inputs()
    print(jax.jit(kernel)(*tuple(_d.values())))

</pallas_src>

<mosaic_0001>
#map = affine_map<(d0, d1) -> (0, 0)>
module attributes {stable_mosaic.version = 14 : i64} {
  func.func @_pool(%arg0: i32, %arg1: i32, %arg2: memref<16384x200xi32, #tpu.memory_space<hbm>>, %arg3: memref<1000000x32xf32, #tpu.memory_space<hbm>>, %arg4: memref<16384x32xf32, #tpu.memory_space<hbm>>, %arg5: memref<2x4x200xi32, #tpu.memory_space<vmem>>, %arg6: memref<2x800x32xf32, #tpu.memory_space<vmem>>, %arg7: memref<4x32xf32, #tpu.memory_space<vmem>>, %arg8: memref<!tpu.dma_semaphore, #tpu.memory_space<semaphore_mem>>) attributes {dimension_semantics = [#tpu.dimension_semantics<core_parallel>, #tpu.dimension_semantics<subcore_parallel>], iteration_bounds = array<i64: 2, 16>, scalar_prefetch = 0 : i64, scratch_operands = 4 : i64, tpu.core_type = #tpu.core_type<sc_vector_subcore>, window_params = [{transform_indices = #map}, {transform_indices = #map}, {transform_indices = #map}]} {
    %mul3A = arith.constant 2 : i32
    %mul3A_0 = arith.muli %arg1, %mul3A : i32
    %add3A = arith.addi %mul3A_0, %arg0 : i32
    %mul3A_1 = arith.constant 512 : i32
    %mul3A_2 = arith.muli %add3A, %mul3A_1 : i32
    %add3A_3 = arith.constant 0 : i32
    %add3A_4 = arith.addi %mul3A_2, %add3A_3 : i32
    %run_scoped3A = arith.constant 0 : i32
    "tpu.region"() ({
      %run_scoped3A_113 = tpu.sem_alloc : memref<!tpu.dma_semaphore, #tpu.memory_space<semaphore_mem>>
      %dma_start3A_114 = arith.constant 0 : i32
      %dma_start3A_115 = arith.constant 0 : i32
      %dma_start3A_116 = tpu.memref_slice %arg5[%run_scoped3A, %dma_start3A_114, %dma_start3A_115] : memref<2x4x200xi32, #tpu.memory_space<vmem>> -> memref<1x4x200xi32, #tpu.memory_space<vmem>>
      %dma_start3A_117 = tpu.memref_squeeze %dma_start3A_116 : memref<1x4x200xi32, #tpu.memory_space<vmem>> -> memref<4x200xi32, #tpu.memory_space<vmem>>
      %dma_start3A_118 = arith.constant 0 : i32
      %dma_start3A_119 = tpu.memref_slice %arg2[%add3A_4, %dma_start3A_118] : memref<16384x200xi32, #tpu.memory_space<hbm>> -> memref<4x200xi32, #tpu.memory_space<hbm>>
      %dma_start3A_120 = arith.constant 0 : i32
      %dma_start3A_121 = arith.constant 0 : i32
      %dma_start3A_122 = tpu.memref_slice %arg5[%run_scoped3A, %dma_start3A_120, %dma_start3A_121] : memref<2x4x200xi32, #tpu.memory_space<vmem>> -> memref<1x4x200xi32, #tpu.memory_space<vmem>>
      %dma_start3A_123 = tpu.memref_squeeze %dma_start3A_122 : memref<1x4x200xi32, #tpu.memory_space<vmem>> -> memref<4x200xi32, #tpu.memory_space<vmem>>
      %dma_start3A_124 = arith.constant 0 : i32
      %dma_start3A_125 = tpu.memref_slice %arg2[%add3A_4, %dma_start3A_124] : memref<16384x200xi32, #tpu.memory_space<hbm>> -> memref<4x200xi32, #tpu.memory_space<hbm>>
      tpu.enqueue_dma source(%dma_start3A_125 : memref<4x200xi32, #tpu.memory_space<hbm>>) target(%dma_start3A_123 : memref<4x200xi32, #tpu.memory_space<vmem>>) target_semaphore(%run_scoped3A_113 : memref<!tpu.dma_semaphore, #tpu.memory_space<semaphore_mem>>)
      %dma_wait3A = arith.constant 0 : i32
      %dma_wait3A_126 = arith.constant 0 : i32
      %dma_wait3A_127 = tpu.memref_slice %arg5[%run_scoped3A, %dma_wait3A, %dma_wait3A_126] : memref<2x4x200xi32, #tpu.memory_space<vmem>> -> memref<1x4x200xi32, #tpu.memory_space<vmem>>
      %dma_wait3A_128 = tpu.memref_squeeze %dma_wait3A_127 : memref<1x4x200xi32, #tpu.memory_space<vmem>> -> memref<4x200xi32, #tpu.memory_space<vmem>>
      %dma_wait3A_129 = arith.constant 0 : i32
      %dma_wait3A_130 = tpu.memref_slice %arg2[%add3A_4, %dma_wait3A_129] : memref<16384x200xi32, #tpu.memory_space<hbm>> -> memref<4x200xi32, #tpu.memory_space<hbm>>
      %dma_wait3A_131 = arith.constant 0 : i32
      %dma_wait3A_132 = arith.constant 0 : i32
      %dma_wait3A_133 = tpu.memref_slice %arg5[%run_scoped3A, %dma_wait3A_131, %dma_wait3A_132] : memref<2x4x200xi32, #tpu.memory_space<vmem>> -> memref<1x4x200xi32, #tpu.memory_space<vmem>>
      %dma_wait3A_134 = tpu.memref_squeeze %dma_wait3A_133 : memref<1x4x200xi32, #tpu.memory_space<vmem>> -> memref<4x200xi32, #tpu.memory_space<vmem>>
      %dma_wait3A_135 = arith.constant 0 : i32
      %dma_wait3A_136 = tpu.memref_slice %arg2[%add3A_4, %dma_wait3A_135] : memref<16384x200xi32, #tpu.memory_space<hbm>> -> memref<4x200xi32, #tpu.memory_space<hbm>>
      tpu.wait_dma2 semaphore(%run_scoped3A_113 : memref<!tpu.dma_semaphore, #tpu.memory_space<semaphore_mem>>) src(%dma_wait3A_136 : memref<4x200xi32, #tpu.memory_space<hbm>>) dst(%dma_wait3A_134 : memref<4x200xi32, #tpu.memory_space<vmem>>)
      tpu.yield
    }) : () -> ()
    %dma_start3A = arith.constant 0 : i32
    %dma_start3A_5 = arith.constant 0 : i32
    %dma_start3A_6 = arith.constant 0 : i32
    %dma_start3A_7 = arith.constant 0 : i32
    %dma_start3A_8 = arith.constant 0 : i32
    %dma_start3A_9 = tpu.memref_slice %arg6[%dma_start3A_6, %dma_start3A_7, %dma_start3A_8] : memref<2x800x32xf32, #tpu.memory_space<vmem>> -> memref<1x128x32xf32, #tpu.memory_space<vmem>>
    %dma_start3A_10 = tpu.memref_squeeze %dma_start3A_9 : memref<1x128x32xf32, #tpu.memory_space<vmem>> -> memref<128x32xf32, #tpu.memory_space<vmem>>
    %dma_start3A_11 = arith.constant 0 : i32
    %dma_start3A_12 = tpu.memref_slice %arg5[%dma_start3A, %dma_start3A_5, %dma_start3A_11] : memref<2x4x200xi32, #tpu.memory_space<vmem>> -> memref<1x1x128xi32, #tpu.memory_space<vmem>>
    %dma_start3A_13 = tpu.memref_squeeze %dma_start3A_12 : memref<1x1x128xi32, #tpu.memory_space<vmem>> -> memref<128xi32, #tpu.memory_space<vmem>>
    %dma_start3A_14 = arith.constant 0 : i32
    %dma_start3A_15 = arith.constant 0 : i32
    %dma_start3A_16 = tpu.memref_slice %arg3[%dma_start3A_14, %dma_start3A_15] : memref<1000000x32xf32, #tpu.memory_space<hbm>> -> memref<1000000x32xf32, #tpu.memory_space<hbm>>
    tpu.enqueue_indirect_dma source(%dma_start3A_16 : memref<1000000x32xf32, #tpu.memory_space<hbm>>) target(%dma_start3A_10 : memref<128x32xf32, #tpu.memory_space<vmem>>) offsets(%dma_start3A_13 : memref<128xi32, #tpu.memory_space<vmem>>) semaphore(%arg8 : memref<!tpu.dma_semaphore, #tpu.memory_space<semaphore_mem>>)
    %dma_start3A_17 = arith.constant 0 : i32
    %dma_start3A_18 = arith.constant 0 : i32
    %dma_start3A_19 = arith.constant 0 : i32
    %dma_start3A_20 = arith.constant 128 : i32
    %dma_start3A_21 = arith.constant 0 : i32
    %dma_start3A_22 = tpu.memref_slice %arg6[%dma_start3A_19, %dma_start3A_20, %dma_start3A_21] : memref<2x800x32xf32, #tpu.memory_space<vmem>> -> memref<1x72x32xf32, #tpu.memory_space<vmem>>
    %dma_start3A_23 = tpu.memref_squeeze %dma_start3A_22 : memref<1x72x32xf32, #tpu.memory_space<vmem>> -> memref<72x32xf32, #tpu.memory_space<vmem>>
    %dma_start3A_24 = arith.constant 128 : i32
    %dma_start3A_25 = tpu.memref_slice %arg5[%dma_start3A_17, %dma_start3A_18, %dma_start3A_24] : memref<2x4x200xi32, #tpu.memory_space<vmem>> -> memref<1x1x72xi32, #tpu.memory_space<vmem>>
    %dma_start3A_26 = tpu.memref_squeeze %dma_start3A_25 : memref<1x1x72xi32, #tpu.memory_space<vmem>> -> memref<72xi32, #tpu.memory_space<vmem>>
    %dma_start3A_27 = arith.constant 0 : i32
    %dma_start3A_28 = arith.constant 0 : i32
    %dma_start3A_29 = tpu.memref_slice %arg3[%dma_start3A_27, %dma_start3A_28] : memref<1000000x32xf32, #tpu.memory_space<hbm>> -> memref<1000000x32xf32, #tpu.memory_space<hbm>>
    tpu.enqueue_indirect_dma source(%dma_start3A_29 : memref<1000000x32xf32, #tpu.memory_space<hbm>>) target(%dma_start3A_23 : memref<72x32xf32, #tpu.memory_space<vmem>>) offsets(%dma_start3A_26 : memref<72xi32, #tpu.memory_space<vmem>>) semaphore(%arg8 : memref<!tpu.dma_semaphore, #tpu.memory_space<semaphore_mem>>)
    %dma_start3A_30 = arith.constant 0 : i32
    %dma_start3A_31 = arith.constant 1 : i32
    %dma_start3A_32 = arith.constant 0 : i32
    %dma_start3A_33 = arith.constant 200 : i32
    %dma_start3A_34 = arith.constant 0 : i32
    %dma_start3A_35 = tpu.memref_slice %arg6[%dma_start3A_32, %dma_start3A_33, %dma_start3A_34] : memref<2x800x32xf32, #tpu.memory_space<vmem>> -> memref<1x128x32xf32, #tpu.memory_space<vmem>>
    %dma_start3A_36 = tpu.memref_squeeze %dma_start3A_35 : memref<1x128x32xf32, #tpu.memory_space<vmem>> -> memref<128x32xf32, #tpu.memory_space<vmem>>
    %dma_start3A_37 = arith.constant 0 : i32
    %dma_start3A_38 = tpu.memref_slice %arg5[%dma_start3A_30, %dma_start3A_31, %dma_start3A_37] : memref<2x4x200xi32, #tpu.memory_space<vmem>> -> memref<1x1x128xi32, #tpu.memory_space<vmem>>
    %dma_start3A_39 = tpu.memref_squeeze %dma_start3A_38 : memref<1x1x128xi32, #tpu.memory_space<vmem>> -> memref<128xi32, #tpu.memory_space<vmem>>
    %dma_start3A_40 = arith.constant 0 : i32
    %dma_start3A_41 = arith.constant 0 : i32
    %dma_start3A_42 = tpu.memref_slice %arg3[%dma_start3A_40, %dma_start3A_41] : memref<1000000x32xf32, #tpu.memory_space<hbm>> -> memref<1000000x32xf32, #tpu.memory_space<hbm>>
    tpu.enqueue_indirect_dma source(%dma_start3A_42 : memref<1000000x32xf32, #tpu.memory_space<hbm>>) target(%dma_start3A_36 : memref<128x32xf32, #tpu.memory_space<vmem>>) offsets(%dma_start3A_39 : memref<128xi32, #tpu.memory_space<vmem>>) semaphore(%arg8 : memref<!tpu.dma_semaphore, #tpu.memory_space<semaphore_mem>>)
    %dma_start3A_43 = arith.constant 0 : i32
    %dma_start3A_44 = arith.constant 1 : i32
    %dma_start3A_45 = arith.constant 0 : i32
    %dma_start3A_46 = arith.constant 328 : i32
    %dma_start3A_47 = arith.constant 0 : i32
    %dma_start3A_48 = tpu.memref_slice %arg6[%dma_start3A_45, %dma_start3A_46, %dma_start3A_47] : memref<2x800x32xf32, #tpu.memory_space<vmem>> -> memref<1x72x32xf32, #tpu.memory_space<vmem>>
    %dma_start3A_49 = tpu.memref_squeeze %dma_start3A_48 : memref<1x72x32xf32, #tpu.memory_space<vmem>> -> memref<72x32xf32, #tpu.memory_space<vmem>>
    %dma_start3A_50 = arith.constant 128 : i32
    %dma_start3A_51 = tpu.memref_slice %arg5[%dma_start3A_43, %dma_start3A_44, %dma_start3A_50] : memref<2x4x200xi32, #tpu.memory_space<vmem>> -> memref<1x1x72xi32, #tpu.memory_space<vmem>>
    %dma_start3A_52 = tpu.memref_squeeze %dma_start3A_51 : memref<1x1x72xi32, #tpu.memory_space<vmem>> -> memref<72xi32, #tpu.memory_space<vmem>>
    %dma_start3A_53 = arith.constant 0 : i32
    %dma_start3A_54 = arith.constant 0 : i32
    %dma_start3A_55 = tpu.memref_slice %arg3[%dma_start3A_53, %dma_start3A_54] : memref<1000000x32xf32, #tpu.memory_space<hbm>> -> memref<1000000x32xf32, #tpu.memory_space<hbm>>
    tpu.enqueue_indirect_dma source(%dma_start3A_55 : memref<1000000x32xf32, #tpu.memory_space<hbm>>) target(%dma_start3A_49 : memref<72x32xf32, #tpu.memory_space<vmem>>) offsets(%dma_start3A_52 : memref<72xi32, #tpu.memory_space<vmem>>) semaphore(%arg8 : memref<!tpu.dma_semaphore, #tpu.memory_space<semaphore_mem>>)
    %dma_start3A_56 = arith.constant 0 : i32
    %dma_start3A_57 = arith.constant 2 : i32
    %dma_start3A_58 = arith.constant 0 : i32
    %dma_start3A_59 = arith.constant 400 : i32
    %dma_start3A_60 = arith.constant 0 : i32
    %dma_start3A_61 = tpu.memref_slice %arg6[%dma_start3A_58, %dma_start3A_59, %dma_start3A_60] : memref<2x800x32xf32, #tpu.memory_space<vmem>> -> memref<1x128x32xf32, #tpu.memory_space<vmem>>
    %dma_start3A_62 = tpu.memref_squeeze %dma_start3A_61 : memref<1x128x32xf32, #tpu.memory_space<vmem>> -> memref<128x32xf32, #tpu.memory_space<vmem>>
    %dma_start3A_63 = arith.constant 0 : i32
    %dma_start3A_64 = tpu.memref_slice %arg5[%dma_start3A_56, %dma_start3A_57, %dma_start3A_63] : memref<2x4x200xi32, #tpu.memory_space<vmem>> -> memref<1x1x128xi32, #tpu.memory_space<vmem>>
    %dma_start3A_65 = tpu.memref_squeeze %dma_start3A_64 : memref<1x1x128xi32, #tpu.memory_space<vmem>> -> memref<128xi32, #tpu.memory_space<vmem>>
    %dma_start3A_66 = arith.constant 0 : i32
    %dma_start3A_67 = arith.constant 0 : i32
    %dma_start3A_68 = tpu.memref_slice %arg3[%dma_start3A_66, %dma_start3A_67] : memref<1000000x32xf32, #tpu.memory_space<hbm>> -> memref<1000000x32xf32, #tpu.memory_space<hbm>>
    tpu.enqueue_indirect_dma source(%dma_start3A_68 : memref<1000000x32xf32, #tpu.memory_space<hbm>>) target(%dma_start3A_62 : memref<128x32xf32, #tpu.memory_space<vmem>>) offsets(%dma_start3A_65 : memref<128xi32, #tpu.memory_space<vmem>>) semaphore(%arg8 : memref<!tpu.dma_semaphore, #tpu.memory_space<semaphore_mem>>)
    %dma_start3A_69 = arith.constant 0 : i32
    %dma_start3A_70 = arith.constant 2 : i32
    %dma_start3A_71 = arith.constant 0 : i32
    %dma_start3A_72 = arith.constant 528 : i32
    %dma_start3A_73 = arith.constant 0 : i32
    %dma_start3A_74 = tpu.memref_slice %arg6[%dma_start3A_71, %dma_start3A_72, %dma_start3A_73] : memref<2x800x32xf32, #tpu.memory_space<vmem>> -> memref<1x72x32xf32, #tpu.memory_space<vmem>>
    %dma_start3A_75 = tpu.memref_squeeze %dma_start3A_74 : memref<1x72x32xf32, #tpu.memory_space<vmem>> -> memref<72x32xf32, #tpu.memory_space<vmem>>
    %dma_start3A_76 = arith.constant 128 : i32
    %dma_start3A_77 = tpu.memref_slice %arg5[%dma_start3A_69, %dma_start3A_70, %dma_start3A_76] : memref<2x4x200xi32, #tpu.memory_space<vmem>> -> memref<1x1x72xi32, #tpu.memory_space<vmem>>
    %dma_start3A_78 = tpu.memref_squeeze %dma_start3A_77 : memref<1x1x72xi32, #tpu.memory_space<vmem>> -> memref<72xi32, #tpu.memory_space<vmem>>
    %dma_start3A_79 = arith.constant 0 : i32
    %dma_start3A_80 = arith.constant 0 : i32
    %dma_start3A_81 = tpu.memref_slice %arg3[%dma_start3A_79, %dma_start3A_80] : memref<1000000x32xf32, #tpu.memory_space<hbm>> -> memref<1000000x32xf32, #tpu.memory_space<hbm>>
    tpu.enqueue_indirect_dma source(%dma_start3A_81 : memref<1000000x32xf32, #tpu.memory_space<hbm>>) target(%dma_start3A_75 : memref<72x32xf32, #tpu.memory_space<vmem>>) offsets(%dma_start3A_78 : memref<72xi32, #tpu.memory_space<vmem>>) semaphore(%arg8 : memref<!tpu.dma_semaphore, #tpu.memory_space<semaphore_mem>>)
    %dma_start3A_82 = arith.constant 0 : i32
    %dma_start3A_83 = arith.constant 3 : i32
    %dma_start3A_84 = arith.constant 0 : i32
    %dma_start3A_85 = arith.constant 600 : i32
    %dma_start3A_86 = arith.constant 0 : i32
    %dma_start3A_87 = tpu.memref_slice %arg6[%dma_start3A_84, %dma_start3A_85, %dma_start3A_86] : memref<2x800x32xf32, #tpu.memory_space<vmem>> -> memref<1x128x32xf32, #tpu.memory_space<vmem>>
    %dma_start3A_88 = tpu.memref_squeeze %dma_start3A_87 : memref<1x128x32xf32, #tpu.memory_space<vmem>> -> memref<128x32xf32, #tpu.memory_space<vmem>>
    %dma_start3A_89 = arith.constant 0 : i32
    %dma_start3A_90 = tpu.memref_slice %arg5[%dma_start3A_82, %dma_start3A_83, %dma_start3A_89] : memref<2x4x200xi32, #tpu.memory_space<vmem>> -> memref<1x1x128xi32, #tpu.memory_space<vmem>>
    %dma_start3A_91 = tpu.memref_squeeze %dma_start3A_90 : memref<1x1x128xi32, #tpu.memory_space<vmem>> -> memref<128xi32, #tpu.memory_space<vmem>>
    %dma_start3A_92 = arith.constant 0 : i32
    %dma_start3A_93 = arith.constant 0 : i32
    %dma_start3A_94 = tpu.memref_slice %arg3[%dma_start3A_92, %dma_start3A_93] : memref<1000000x32xf32, #tpu.memory_space<hbm>> -> memref<1000000x32xf32, #tpu.memory_space<hbm>>
    tpu.enqueue_indirect_dma source(%dma_start3A_94 : memref<1000000x32xf32, #tpu.memory_space<hbm>>) target(%dma_start3A_88 : memref<128x32xf32, #tpu.memory_space<vmem>>) offsets(%dma_start3A_91 : memref<128xi32, #tpu.memory_space<vmem>>) semaphore(%arg8 : memref<!tpu.dma_semaphore, #tpu.memory_space<semaphore_mem>>)
    %dma_start3A_95 = arith.constant 0 : i32
    %dma_start3A_96 = arith.constant 3 : i32
    %dma_start3A_97 = arith.constant 0 : i32
    %dma_start3A_98 = arith.constant 728 : i32
    %dma_start3A_99 = arith.constant 0 : i32
    %dma_start3A_100 = tpu.memref_slice %arg6[%dma_start3A_97, %dma_start3A_98, %dma_start3A_99] : memref<2x800x32xf32, #tpu.memory_space<vmem>> -> memref<1x72x32xf32, #tpu.memory_space<vmem>>
    %dma_start3A_101 = tpu.memref_squeeze %dma_start3A_100 : memref<1x72x32xf32, #tpu.memory_space<vmem>> -> memref<72x32xf32, #tpu.memory_space<vmem>>
    %dma_start3A_102 = arith.constant 128 : i32
    %dma_start3A_103 = tpu.memref_slice %arg5[%dma_start3A_95, %dma_start3A_96, %dma_start3A_102] : memref<2x4x200xi32, #tpu.memory_space<vmem>> -> memref<1x1x72xi32, #tpu.memory_space<vmem>>
    %dma_start3A_104 = tpu.memref_squeeze %dma_start3A_103 : memref<1x1x72xi32, #tpu.memory_space<vmem>> -> memref<72xi32, #tpu.memory_space<vmem>>
    %dma_start3A_105 = arith.constant 0 : i32
    %dma_start3A_106 = arith.constant 0 : i32
    %dma_start3A_107 = tpu.memref_slice %arg3[%dma_start3A_105, %dma_start3A_106] : memref<1000000x32xf32, #tpu.memory_space<hbm>> -> memref<1000000x32xf32, #tpu.memory_space<hbm>>
    tpu.enqueue_indirect_dma source(%dma_start3A_107 : memref<1000000x32xf32, #tpu.memory_space<hbm>>) target(%dma_start3A_101 : memref<72x32xf32, #tpu.memory_space<vmem>>) offsets(%dma_start3A_104 : memref<72xi32, #tpu.memory_space<vmem>>) semaphore(%arg8 : memref<!tpu.dma_semaphore, #tpu.memory_space<semaphore_mem>>)
    %scan3A = arith.constant 0 : i32
    %scan3A_108 = arith.constant 0 : i32
    %scan3A_109 = arith.constant 128 : i32
    %scan3A_110 = arith.addi %scan3A_108, %scan3A_109 : i32
    %scan3A_111 = arith.constant 1 : i32
    scf.for %scan3A_113 = %scan3A_108 to %scan3A_110 step %scan3A_111  : i32 {
      %rem3A = arith.constant 2 : i32
      %rem3A_114 = arith.remsi %scan3A_113, %rem3A : i32
      %lt3A = arith.constant 127 : i32
      %lt3A_115 = arith.cmpi slt, %scan3A_113, %lt3A : i32
      %convert_element_type3A = arith.extui %lt3A_115 : i1 to i32
      %cond3A = arith.constant 0 : i32
      %cond3A_116 = arith.cmpi ne, %convert_element_type3A, %cond3A : i32
      scf.if %cond3A_116 {
        %add3A_259 = arith.constant 1 : i32
        %add3A_260 = arith.addi %scan3A_113, %add3A_259 : i32
        %add3A_261 = arith.constant 1 : i32
        %add3A_262 = arith.addi %scan3A_113, %add3A_261 : i32
        %rem3A_263 = arith.constant 2 : i32
        %rem3A_264 = arith.remsi %add3A_262, %rem3A_263 : i32
        %mul3A_265 = arith.constant 4 : i32
        %mul3A_266 = arith.muli %add3A_260, %mul3A_265 : i32
        %add3A_267 = arith.addi %mul3A_2, %mul3A_266 : i32
        "tpu.region"() ({
          %run_scoped3A_356 = tpu.sem_alloc : memref<!tpu.dma_semaphore, #tpu.memory_space<semaphore_mem>>
          %dma_start3A_357 = arith.constant 0 : i32
          %dma_start3A_358 = arith.constant 0 : i32
          %dma_start3A_359 = tpu.memref_slice %arg5[%rem3A_264, %dma_start3A_357, %dma_start3A_358] : memref<2x4x200xi32, #tpu.memory_space<vmem>> -> memref<1x4x200xi32, #tpu.memory_space<vmem>>
          %dma_start3A_360 = tpu.memref_squeeze %dma_start3A_359 : memref<1x4x200xi32, #tpu.memory_space<vmem>> -> memref<4x200xi32, #tpu.memory_space<vmem>>
          %dma_start3A_361 = arith.constant 0 : i32
          %dma_start3A_362 = tpu.memref_slice %arg2[%add3A_267, %dma_start3A_361] : memref<16384x200xi32, #tpu.memory_space<hbm>> -> memref<4x200xi32, #tpu.memory_space<hbm>>
          %dma_start3A_363 = arith.constant 0 : i32
          %dma_start3A_364 = arith.constant 0 : i32
          %dma_start3A_365 = tpu.memref_slice %arg5[%rem3A_264, %dma_start3A_363, %dma_start3A_364] : memref<2x4x200xi32, #tpu.memory_space<vmem>> -> memref<1x4x200xi32, #tpu.memory_space<vmem>>
          %dma_start3A_366 = tpu.memref_squeeze %dma_start3A_365 : memref<1x4x200xi32, #tpu.memory_space<vmem>> -> memref<4x200xi32, #tpu.memory_space<vmem>>
          %dma_start3A_367 = arith.constant 0 : i32
          %dma_start3A_368 = tpu.memref_slice %arg2[%add3A_267, %dma_start3A_367] : memref<16384x200xi32, #tpu.memory_space<hbm>> -> memref<4x200xi32, #tpu.memory_space<hbm>>
          tpu.enqueue_dma source(%dma_start3A_368 : memref<4x200xi32, #tpu.memory_space<hbm>>) target(%dma_start3A_366 : memref<4x200xi32, #tpu.memory_space<vmem>>) target_semaphore(%run_scoped3A_356 : memref<!tpu.dma_semaphore, #tpu.memory_space<semaphore_mem>>)
          %dma_wait3A_369 = arith.constant 0 : i32
          %dma_wait3A_370 = arith.constant 0 : i32
          %dma_wait3A_371 = tpu.memref_slice %arg5[%rem3A_264, %dma_wait3A_369, %dma_wait3A_370] : memref<2x4x200xi32, #tpu.memory_space<vmem>> -> memref<1x4x200xi32, #tpu.memory_space<vmem>>
          %dma_wait3A_372 = tpu.memref_squeeze %dma_wait3A_371 : memref<1x4x200xi32, #tpu.memory_space<vmem>> -> memref<4x200xi32, #tpu.memory_space<vmem>>
          %dma_wait3A_373 = arith.constant 0 : i32
          %dma_wait3A_374 = tpu.memref_slice %arg2[%add3A_267, %dma_wait3A_373] : memref<16384x200xi32, #tpu.memory_space<hbm>> -> memref<4x200xi32, #tpu.memory_space<hbm>>
          %dma_wait3A_375 = arith.constant 0 : i32
          %dma_wait3A_376 = arith.constant 0 : i32
          %dma_wait3A_377 = tpu.memref_slice %arg5[%rem3A_264, %dma_wait3A_375, %dma_wait3A_376] : memref<2x4x200xi32, #tpu.memory_space<vmem>> -> memref<1x4x200xi32, #tpu.memory_space<vmem>>
          %dma_wait3A_378 = tpu.memref_squeeze %dma_wait3A_377 : memref<1x4x200xi32, #tpu.memory_space<vmem>> -> memref<4x200xi32, #tpu.memory_space<vmem>>
          %dma_wait3A_379 = arith.constant 0 : i32
          %dma_wait3A_380 = tpu.memref_slice %arg2[%add3A_267, %dma_wait3A_379] : memref<16384x200xi32, #tpu.memory_space<hbm>> -> memref<4x200xi32, #tpu.memory_space<hbm>>
          tpu.wait_dma2 semaphore(%run_scoped3A_356 : memref<!tpu.dma_semaphore, #tpu.memory_space<semaphore_mem>>) src(%dma_wait3A_380 : memref<4x200xi32, #tpu.memory_space<hbm>>) dst(%dma_wait3A_378 : memref<4x200xi32, #tpu.memory_space<vmem>>)
          tpu.yield
        }) : () -> ()
        %dma_start3A_268 = arith.constant 0 : i32
        %dma_start3A_269 = arith.constant 0 : i32
        %dma_start3A_270 = arith.constant 0 : i32
        %dma_start3A_271 = tpu.memref_slice %arg6[%rem3A_264, %dma_start3A_269, %dma_start3A_270] : memref<2x800x32xf32, #tpu.memory_space<vmem>> -> memref<1x128x32xf32, #tpu.memory_space<vmem>>
        %dma_start3A_272 = tpu.memref_squeeze %dma_start3A_271 : memref<1x128x32xf32, #tpu.memory_space<vmem>> -> memref<128x32xf32, #tpu.memory_space<vmem>>
        %dma_start3A_273 = arith.constant 0 : i32
        %dma_start3A_274 = tpu.memref_slice %arg5[%rem3A_264, %dma_start3A_268, %dma_start3A_273] : memref<2x4x200xi32, #tpu.memory_space<vmem>> -> memref<1x1x128xi32, #tpu.memory_space<vmem>>
        %dma_start3A_275 = tpu.memref_squeeze %dma_start3A_274 : memref<1x1x128xi32, #tpu.memory_space<vmem>> -> memref<128xi32, #tpu.memory_space<vmem>>
        %dma_start3A_276 = arith.constant 0 : i32
        %dma_start3A_277 = arith.constant 0 : i32
        %dma_start3A_278 = tpu.memref_slice %arg3[%dma_start3A_276, %dma_start3A_277] : memref<1000000x32xf32, #tpu.memory_space<hbm>> -> memref<1000000x32xf32, #tpu.memory_space<hbm>>
        tpu.enqueue_indirect_dma source(%dma_start3A_278 : memref<1000000x32xf32, #tpu.memory_space<hbm>>) target(%dma_start3A_272 : memref<128x32xf32, #tpu.memory_space<vmem>>) offsets(%dma_start3A_275 : memref<128xi32, #tpu.memory_space<vmem>>) semaphore(%arg8 : memref<!tpu.dma_semaphore, #tpu.memory_space<semaphore_mem>>)
        %dma_start3A_279 = arith.constant 0 : i32
        %dma_start3A_280 = arith.constant 128 : i32
        %dma_start3A_281 = arith.constant 0 : i32
        %dma_start3A_282 = tpu.memref_slice %arg6[%rem3A_264, %dma_start3A_280, %dma_start3A_281] : memref<2x800x32xf32, #tpu.memory_space<vmem>> -> memref<1x72x32xf32, #tpu.memory_space<vmem>>
        %dma_start3A_283 = tpu.memref_squeeze %dma_start3A_282 : memref<1x72x32xf32, #tpu.memory_space<vmem>> -> memref<72x32xf32, #tpu.memory_space<vmem>>
        %dma_start3A_284 = arith.constant 128 : i32
        %dma_start3A_285 = tpu.memref_slice %arg5[%rem3A_264, %dma_start3A_279, %dma_start3A_284] : memref<2x4x200xi32, #tpu.memory_space<vmem>> -> memref<1x1x72xi32, #tpu.memory_space<vmem>>
        %dma_start3A_286 = tpu.memref_squeeze %dma_start3A_285 : memref<1x1x72xi32, #tpu.memory_space<vmem>> -> memref<72xi32, #tpu.memory_space<vmem>>
        %dma_start3A_287 = arith.constant 0 : i32
        %dma_start3A_288 = arith.constant 0 : i32
        %dma_start3A_289 = tpu.memref_slice %arg3[%dma_start3A_287, %dma_start3A_288] : memref<1000000x32xf32, #tpu.memory_space<hbm>> -> memref<1000000x32xf32, #tpu.memory_space<hbm>>
        tpu.enqueue_indirect_dma source(%dma_start3A_289 : memref<1000000x32xf32, #tpu.memory_space<hbm>>) target(%dma_start3A_283 : memref<72x32xf32, #tpu.memory_space<vmem>>) offsets(%dma_start3A_286 : memref<72xi32, #tpu.memory_space<vmem>>) semaphore(%arg8 : memref<!tpu.dma_semaphore, #tpu.memory_space<semaphore_mem>>)
        %dma_start3A_290 = arith.constant 1 : i32
        %dma_start3A_291 = arith.constant 200 : i32
        %dma_start3A_292 = arith.constant 0 : i32
        %dma_start3A_293 = tpu.memref_slice %arg6[%rem3A_264, %dma_start3A_291, %dma_start3A_292] : memref<2x800x32xf32, #tpu.memory_space<vmem>> -> memref<1x128x32xf32, #tpu.memory_space<vmem>>
        %dma_start3A_294 = tpu.memref_squeeze %dma_start3A_293 : memref<1x128x32xf32, #tpu.memory_space<vmem>> -> memref<128x32xf32, #tpu.memory_space<vmem>>
        %dma_start3A_295 = arith.constant 0 : i32
        %dma_start3A_296 = tpu.memref_slice %arg5[%rem3A_264, %dma_start3A_290, %dma_start3A_295] : memref<2x4x200xi32, #tpu.memory_space<vmem>> -> memref<1x1x128xi32, #tpu.memory_space<vmem>>
        %dma_start3A_297 = tpu.memref_squeeze %dma_start3A_296 : memref<1x1x128xi32, #tpu.memory_space<vmem>> -> memref<128xi32, #tpu.memory_space<vmem>>
        %dma_start3A_298 = arith.constant 0 : i32
        %dma_start3A_299 = arith.constant 0 : i32
        %dma_start3A_300 = tpu.memref_slice %arg3[%dma_start3A_298, %dma_start3A_299] : memref<1000000x32xf32, #tpu.memory_space<hbm>> -> memref<1000000x32xf32, #tpu.memory_space<hbm>>
        tpu.enqueue_indirect_dma source(%dma_start3A_300 : memref<1000000x32xf32, #tpu.memory_space<hbm>>) target(%dma_start3A_294 : memref<128x32xf32, #tpu.memory_space<vmem>>) offsets(%dma_start3A_297 : memref<128xi32, #tpu.memory_space<vmem>>) semaphore(%arg8 : memref<!tpu.dma_semaphore, #tpu.memory_space<semaphore_mem>>)
        %dma_start3A_301 = arith.constant 1 : i32
        %dma_start3A_302 = arith.constant 328 : i32
        %dma_start3A_303 = arith.constant 0 : i32
        %dma_start3A_304 = tpu.memref_slice %arg6[%rem3A_264, %dma_start3A_302, %dma_start3A_303] : memref<2x800x32xf32, #tpu.memory_space<vmem>> -> memref<1x72x32xf32, #tpu.memory_space<vmem>>
        %dma_start3A_305 = tpu.memref_squeeze %dma_start3A_304 : memref<1x72x32xf32, #tpu.memory_space<vmem>> -> memref<72x32xf32, #tpu.memory_space<vmem>>
        %dma_start3A_306 = arith.constant 128 : i32
        %dma_start3A_307 = tpu.memref_slice %arg5[%rem3A_264, %dma_start3A_301, %dma_start3A_306] : memref<2x4x200xi32, #tpu.memory_space<vmem>> -> memref<1x1x72xi32, #tpu.memory_space<vmem>>
        %dma_start3A_308 = tpu.memref_squeeze %dma_start3A_307 : memref<1x1x72xi32, #tpu.memory_space<vmem>> -> memref<72xi32, #tpu.memory_space<vmem>>
        %dma_start3A_309 = arith.constant 0 : i32
        %dma_start3A_310 = arith.constant 0 : i32
        %dma_start3A_311 = tpu.memref_slice %arg3[%dma_start3A_309, %dma_start3A_310] : memref<1000000x32xf32, #tpu.memory_space<hbm>> -> memref<1000000x32xf32, #tpu.memory_space<hbm>>
        tpu.enqueue_indirect_dma source(%dma_start3A_311 : memref<1000000x32xf32, #tpu.memory_space<hbm>>) target(%dma_start3A_305 : memref<72x32xf32, #tpu.memory_space<vmem>>) offsets(%dma_start3A_308 : memref<72xi32, #tpu.memory_space<vmem>>) semaphore(%arg8 : memref<!tpu.dma_semaphore, #tpu.memory_space<semaphore_mem>>)
        %dma_start3A_312 = arith.constant 2 : i32
        %dma_start3A_313 = arith.constant 400 : i32
        %dma_start3A_314 = arith.constant 0 : i32
        %dma_start3A_315 = tpu.memref_slice %arg6[%rem3A_264, %dma_start3A_313, %dma_start3A_314] : memref<2x800x32xf32, #tpu.memory_space<vmem>> -> memref<1x128x32xf32, #tpu.memory_space<vmem>>
        %dma_start3A_316 = tpu.memref_squeeze %dma_start3A_315 : memref<1x128x32xf32, #tpu.memory_space<vmem>> -> memref<128x32xf32, #tpu.memory_space<vmem>>
        %dma_start3A_317 = arith.constant 0 : i32
        %dma_start3A_318 = tpu.memref_slice %arg5[%rem3A_264, %dma_start3A_312, %dma_start3A_317] : memref<2x4x200xi32, #tpu.memory_space<vmem>> -> memref<1x1x128xi32, #tpu.memory_space<vmem>>
        %dma_start3A_319 = tpu.memref_squeeze %dma_start3A_318 : memref<1x1x128xi32, #tpu.memory_space<vmem>> -> memref<128xi32, #tpu.memory_space<vmem>>
        %dma_start3A_320 = arith.constant 0 : i32
        %dma_start3A_321 = arith.constant 0 : i32
        %dma_start3A_322 = tpu.memref_slice %arg3[%dma_start3A_320, %dma_start3A_321] : memref<1000000x32xf32, #tpu.memory_space<hbm>> -> memref<1000000x32xf32, #tpu.memory_space<hbm>>
        tpu.enqueue_indirect_dma source(%dma_start3A_322 : memref<1000000x32xf32, #tpu.memory_space<hbm>>) target(%dma_start3A_316 : memref<128x32xf32, #tpu.memory_space<vmem>>) offsets(%dma_start3A_319 : memref<128xi32, #tpu.memory_space<vmem>>) semaphore(%arg8 : memref<!tpu.dma_semaphore, #tpu.memory_space<semaphore_mem>>)
        %dma_start3A_323 = arith.constant 2 : i32
        %dma_start3A_324 = arith.constant 528 : i32
        %dma_start3A_325 = arith.constant 0 : i32
        %dma_start3A_326 = tpu.memref_slice %arg6[%rem3A_264, %dma_start3A_324, %dma_start3A_325] : memref<2x800x32xf32, #tpu.memory_space<vmem>> -> memref<1x72x32xf32, #tpu.memory_space<vmem>>
        %dma_start3A_327 = tpu.memref_squeeze %dma_start3A_326 : memref<1x72x32xf32, #tpu.memory_space<vmem>> -> memref<72x32xf32, #tpu.memory_space<vmem>>
        %dma_start3A_328 = arith.constant 128 : i32
        %dma_start3A_329 = tpu.memref_slice %arg5[%rem3A_264, %dma_start3A_323, %dma_start3A_328] : memref<2x4x200xi32, #tpu.memory_space<vmem>> -> memref<1x1x72xi32, #tpu.memory_space<vmem>>
        %dma_start3A_330 = tpu.memref_squeeze %dma_start3A_329 : memref<1x1x72xi32, #tpu.memory_space<vmem>> -> memref<72xi32, #tpu.memory_space<vmem>>
        %dma_start3A_331 = arith.constant 0 : i32
        %dma_start3A_332 = arith.constant 0 : i32
        %dma_start3A_333 = tpu.memref_slice %arg3[%dma_start3A_331, %dma_start3A_332] : memref<1000000x32xf32, #tpu.memory_space<hbm>> -> memref<1000000x32xf32, #tpu.memory_space<hbm>>
        tpu.enqueue_indirect_dma source(%dma_start3A_333 : memref<1000000x32xf32, #tpu.memory_space<hbm>>) target(%dma_start3A_327 : memref<72x32xf32, #tpu.memory_space<vmem>>) offsets(%dma_start3A_330 : memref<72xi32, #tpu.memory_space<vmem>>) semaphore(%arg8 : memref<!tpu.dma_semaphore, #tpu.memory_space<semaphore_mem>>)
        %dma_start3A_334 = arith.constant 3 : i32
        %dma_start3A_335 = arith.constant 600 : i32
        %dma_start3A_336 = arith.constant 0 : i32
        %dma_start3A_337 = tpu.memref_slice %arg6[%rem3A_264, %dma_start3A_335, %dma_start3A_336] : memref<2x800x32xf32, #tpu.memory_space<vmem>> -> memref<1x128x32xf32, #tpu.memory_space<vmem>>
        %dma_start3A_338 = tpu.memref_squeeze %dma_start3A_337 : memref<1x128x32xf32, #tpu.memory_space<vmem>> -> memref<128x32xf32, #tpu.memory_space<vmem>>
        %dma_start3A_339 = arith.constant 0 : i32
        %dma_start3A_340 = tpu.memref_slice %arg5[%rem3A_264, %dma_start3A_334, %dma_start3A_339] : memref<2x4x200xi32, #tpu.memory_space<vmem>> -> memref<1x1x128xi32, #tpu.memory_space<vmem>>
        %dma_start3A_341 = tpu.memref_squeeze %dma_start3A_340 : memref<1x1x128xi32, #tpu.memory_space<vmem>> -> memref<128xi32, #tpu.memory_space<vmem>>
        %dma_start3A_342 = arith.constant 0 : i32
        %dma_start3A_343 = arith.constant 0 : i32
        %dma_start3A_344 = tpu.memref_slice %arg3[%dma_start3A_342, %dma_start3A_343] : memref<1000000x32xf32, #tpu.memory_space<hbm>> -> memref<1000000x32xf32, #tpu.memory_space<hbm>>
        tpu.enqueue_indirect_dma source(%dma_start3A_344 : memref<1000000x32xf32, #tpu.memory_space<hbm>>) target(%dma_start3A_338 : memref<128x32xf32, #tpu.memory_space<vmem>>) offsets(%dma_start3A_341 : memref<128xi32, #tpu.memory_space<vmem>>) semaphore(%arg8 : memref<!tpu.dma_semaphore, #tpu.memory_space<semaphore_mem>>)
        %dma_start3A_345 = arith.constant 3 : i32
        %dma_start3A_346 = arith.constant 728 : i32
        %dma_start3A_347 = arith.constant 0 : i32
        %dma_start3A_348 = tpu.memref_slice %arg6[%rem3A_264, %dma_start3A_346, %dma_start3A_347] : memref<2x800x32xf32, #tpu.memory_space<vmem>> -> memref<1x72x32xf32, #tpu.memory_space<vmem>>
        %dma_start3A_349 = tpu.memref_squeeze %dma_start3A_348 : memref<1x72x32xf32, #tpu.memory_space<vmem>> -> memref<72x32xf32, #tpu.memory_space<vmem>>
        %dma_start3A_350 = arith.constant 128 : i32
        %dma_start3A_351 = tpu.memref_slice %arg5[%rem3A_264, %dma_start3A_345, %dma_start3A_350] : memref<2x4x200xi32, #tpu.memory_space<vmem>> -> memref<1x1x72xi32, #tpu.memory_space<vmem>>
        %dma_start3A_352 = tpu.memref_squeeze %dma_start3A_351 : memref<1x1x72xi32, #tpu.memory_space<vmem>> -> memref<72xi32, #tpu.memory_space<vmem>>
        %dma_start3A_353 = arith.constant 0 : i32
        %dma_start3A_354 = arith.constant 0 : i32
        %dma_start3A_355 = tpu.memref_slice %arg3[%dma_start3A_353, %dma_start3A_354] : memref<1000000x32xf32, #tpu.memory_space<hbm>> -> memref<1000000x32xf32, #tpu.memory_space<hbm>>
        tpu.enqueue_indirect_dma source(%dma_start3A_355 : memref<1000000x32xf32, #tpu.memory_space<hbm>>) target(%dma_start3A_349 : memref<72x32xf32, #tpu.memory_space<vmem>>) offsets(%dma_start3A_352 : memref<72xi32, #tpu.memory_space<vmem>>) semaphore(%arg8 : memref<!tpu.dma_semaphore, #tpu.memory_space<semaphore_mem>>)
      } else {
      }
      %dma_wait3A = arith.constant 0 : i32
      %dma_wait3A_117 = arith.constant 0 : i32
      %dma_wait3A_118 = tpu.memref_slice %arg6[%rem3A_114, %dma_wait3A, %dma_wait3A_117] : memref<2x800x32xf32, #tpu.memory_space<vmem>> -> memref<1x800x32xf32, #tpu.memory_space<vmem>>
      %dma_wait3A_119 = tpu.memref_squeeze %dma_wait3A_118 : memref<1x800x32xf32, #tpu.memory_space<vmem>> -> memref<800x32xf32, #tpu.memory_space<vmem>>
      %dma_wait3A_120 = arith.constant 0 : i32
      %dma_wait3A_121 = arith.constant 0 : i32
      %dma_wait3A_122 = tpu.memref_slice %arg3[%dma_wait3A_120, %dma_wait3A_121] : memref<1000000x32xf32, #tpu.memory_space<hbm>> -> memref<800x32xf32, #tpu.memory_space<hbm>>
      %dma_wait3A_123 = arith.constant 0 : i32
      %dma_wait3A_124 = arith.constant 0 : i32
      %dma_wait3A_125 = tpu.memref_slice %arg6[%rem3A_114, %dma_wait3A_123, %dma_wait3A_124] : memref<2x800x32xf32, #tpu.memory_space<vmem>> -> memref<1x800x32xf32, #tpu.memory_space<vmem>>
      %dma_wait3A_126 = tpu.memref_squeeze %dma_wait3A_125 : memref<1x800x32xf32, #tpu.memory_space<vmem>> -> memref<800x32xf32, #tpu.memory_space<vmem>>
      %dma_wait3A_127 = arith.constant 0 : i32
      %dma_wait3A_128 = arith.constant 0 : i32
      %dma_wait3A_129 = tpu.memref_slice %arg3[%dma_wait3A_127, %dma_wait3A_128] : memref<1000000x32xf32, #tpu.memory_space<hbm>> -> memref<800x32xf32, #tpu.memory_space<hbm>>
      tpu.wait_dma2 semaphore(%arg8 : memref<!tpu.dma_semaphore, #tpu.memory_space<semaphore_mem>>) src(%dma_wait3A_129 : memref<800x32xf32, #tpu.memory_space<hbm>>) dst(%dma_wait3A_126 : memref<800x32xf32, #tpu.memory_space<vmem>>)
      %broadcast_in_dim3A = arith.constant 0.000000e+00 : f32
      %broadcast_in_dim3A_130 = vector.broadcast %broadcast_in_dim3A : f32 to vector<16xf32>
      %scan3A_131 = arith.constant 0 : i32
      %scan3A_132 = arith.constant 25 : i32
      %scan3A_133 = arith.addi %scan3A_131, %scan3A_132 : i32
      %scan3A_134 = arith.constant 1 : i32
      %scan3A_135:8 = scf.for %scan3A_259 = %scan3A_131 to %scan3A_133 step %scan3A_134 iter_args(%scan3A_260 = %broadcast_in_dim3A_130, %scan3A_261 = %broadcast_in_dim3A_130, %scan3A_262 = %broadcast_in_dim3A_130, %scan3A_263 = %broadcast_in_dim3A_130, %scan3A_264 = %broadcast_in_dim3A_130, %scan3A_265 = %broadcast_in_dim3A_130, %scan3A_266 = %broadcast_in_dim3A_130, %scan3A_267 = %broadcast_in_dim3A_130) -> (vector<16xf32>, vector<16xf32>, vector<16xf32>, vector<16xf32>, vector<16xf32>, vector<16xf32>, vector<16xf32>, vector<16xf32>)  : i32 {
        %mul3A_268 = arith.constant 8 : i32
        %mul3A_269 = arith.muli %scan3A_259, %mul3A_268 : i32
        %add3A_270 = arith.constant 0 : i32
        %add3A_271 = arith.addi %add3A_270, %mul3A_269 : i32
        %add3A_272 = arith.constant 0 : i32
        %add3A_273 = arith.addi %add3A_271, %add3A_272 : i32
        %get3A = arith.index_cast %rem3A_114 : i32 to index
        %get3A_274 = arith.index_cast %add3A_273 : i32 to index
        %get3A_275 = arith.constant 0 : index
        %get3A_276 = tpu.vector_load %arg6[%get3A, %get3A_274, %get3A_275] {strides = array<i32>} : memref<2x800x32xf32, #tpu.memory_space<vmem>>, vector<1x1x16xf32>,
        %get3A_277 = vector.shape_cast %get3A_276 : vector<1x1x16xf32> to vector<16xf32>
        %add3A_278 = arith.addf %scan3A_260, %get3A_277 : vector<16xf32>
        %get3A_279 = arith.index_cast %rem3A_114 : i32 to index
        %get3A_280 = arith.index_cast %add3A_273 : i32 to index
        %get3A_281 = arith.constant 16 : index
        %get3A_282 = tpu.vector_load %arg6[%get3A_279, %get3A_280, %get3A_281] {strides = array<i32>} : memref<2x800x32xf32, #tpu.memory_space<vmem>>, vector<1x1x16xf32>,
        %get3A_283 = vector.shape_cast %get3A_282 : vector<1x1x16xf32> to vector<16xf32>
        %add3A_284 = arith.addf %scan3A_261, %get3A_283 : vector<16xf32>
        %mul3A_285 = arith.constant 8 : i32
        %mul3A_286 = arith.muli %scan3A_259, %mul3A_285 : i32
        %add3A_287 = arith.constant 0 : i32
        %add3A_288 = arith.addi %add3A_287, %mul3A_286 : i32
        %add3A_289 = arith.constant 1 : i32
        %add3A_290 = arith.addi %add3A_288, %add3A_289 : i32
        %get3A_291 = arith.index_cast %rem3A_114 : i32 to index
        %get3A_292 = arith.index_cast %add3A_290 : i32 to index
        %get3A_293 = arith.constant 0 : index
        %get3A_294 = tpu.vector_load %arg6[%get3A_291, %get3A_292, %get3A_293] {strides = array<i32>} : memref<2x800x32xf32, #tpu.memory_space<vmem>>, vector<1x1x16xf32>,
        %get3A_295 = vector.shape_cast %get3A_294 : vector<1x1x16xf32> to vector<16xf32>
        %add3A_296 = arith.addf %scan3A_262, %get3A_295 : vector<16xf32>
        %get3A_297 = arith.index_cast %rem3A_114 : i32 to index
        %get3A_298 = arith.index_cast %add3A_290 : i32 to index
        %get3A_299 = arith.constant 16 : index
        %get3A_300 = tpu.vector_load %arg6[%get3A_297, %get3A_298, %get3A_299] {strides = array<i32>} : memref<2x800x32xf32, #tpu.memory_space<vmem>>, vector<1x1x16xf32>,
        %get3A_301 = vector.shape_cast %get3A_300 : vector<1x1x16xf32> to vector<16xf32>
        %add3A_302 = arith.addf %scan3A_263, %get3A_301 : vector<16xf32>
        %mul3A_303 = arith.constant 8 : i32
        %mul3A_304 = arith.muli %scan3A_259, %mul3A_303 : i32
        %add3A_305 = arith.constant 0 : i32
        %add3A_306 = arith.addi %add3A_305, %mul3A_304 : i32
        %add3A_307 = arith.constant 2 : i32
        %add3A_308 = arith.addi %add3A_306, %add3A_307 : i32
        %get3A_309 = arith.index_cast %rem3A_114 : i32 to index
        %get3A_310 = arith.index_cast %add3A_308 : i32 to index
        %get3A_311 = arith.constant 0 : index
        %get3A_312 = tpu.vector_load %arg6[%get3A_309, %get3A_310, %get3A_311] {strides = array<i32>} : memref<2x800x32xf32, #tpu.memory_space<vmem>>, vector<1x1x16xf32>,
        %get3A_313 = vector.shape_cast %get3A_312 : vector<1x1x16xf32> to vector<16xf32>
        %add3A_314 = arith.addf %scan3A_264, %get3A_313 : vector<16xf32>
        %get3A_315 = arith.index_cast %rem3A_114 : i32 to index
        %get3A_316 = arith.index_cast %add3A_308 : i32 to index
        %get3A_317 = arith.constant 16 : index
        %get3A_318 = tpu.vector_load %arg6[%get3A_315, %get3A_316, %get3A_317] {strides = array<i32>} : memref<2x800x32xf32, #tpu.memory_space<vmem>>, vector<1x1x16xf32>,
        %get3A_319 = vector.shape_cast %get3A_318 : vector<1x1x16xf32> to vector<16xf32>
        %add3A_320 = arith.addf %scan3A_265, %get3A_319 : vector<16xf32>
        %mul3A_321 = arith.constant 8 : i32
        %mul3A_322 = arith.muli %scan3A_259, %mul3A_321 : i32
        %add3A_323 = arith.constant 0 : i32
        %add3A_324 = arith.addi %add3A_323, %mul3A_322 : i32
        %add3A_325 = arith.constant 3 : i32
        %add3A_326 = arith.addi %add3A_324, %add3A_325 : i32
        %get3A_327 = arith.index_cast %rem3A_114 : i32 to index
        %get3A_328 = arith.index_cast %add3A_326 : i32 to index
        %get3A_329 = arith.constant 0 : index
        %get3A_330 = tpu.vector_load %arg6[%get3A_327, %get3A_328, %get3A_329] {strides = array<i32>} : memref<2x800x32xf32, #tpu.memory_space<vmem>>, vector<1x1x16xf32>,
        %get3A_331 = vector.shape_cast %get3A_330 : vector<1x1x16xf32> to vector<16xf32>
        %add3A_332 = arith.addf %scan3A_266, %get3A_331 : vector<16xf32>
        %get3A_333 = arith.index_cast %rem3A_114 : i32 to index
        %get3A_334 = arith.index_cast %add3A_326 : i32 to index
        %get3A_335 = arith.constant 16 : index
        %get3A_336 = tpu.vector_load %arg6[%get3A_333, %get3A_334, %get3A_335] {strides = array<i32>} : memref<2x800x32xf32, #tpu.memory_space<vmem>>, vector<1x1x16xf32>,
        %get3A_337 = vector.shape_cast %get3A_336 : vector<1x1x16xf32> to vector<16xf32>
        %add3A_338 = arith.addf %scan3A_267, %get3A_337 : vector<16xf32>
        %mul3A_339 = arith.constant 8 : i32
        %mul3A_340 = arith.muli %scan3A_259, %mul3A_339 : i32
        %add3A_341 = arith.constant 0 : i32
        %add3A_342 = arith.addi %add3A_341, %mul3A_340 : i32
        %add3A_343 = arith.constant 4 : i32
        %add3A_344 = arith.addi %add3A_342, %add3A_343 : i32
        %get3A_345 = arith.index_cast %rem3A_114 : i32 to index
        %get3A_346 = arith.index_cast %add3A_344 : i32 to index
        %get3A_347 = arith.constant 0 : index
        %get3A_348 = tpu.vector_load %arg6[%get3A_345, %get3A_346, %get3A_347] {strides = array<i32>} : memref<2x800x32xf32, #tpu.memory_space<vmem>>, vector<1x1x16xf32>,
        %get3A_349 = vector.shape_cast %get3A_348 : vector<1x1x16xf32> to vector<16xf32>
        %add3A_350 = arith.addf %add3A_278, %get3A_349 : vector<16xf32>
        %get3A_351 = arith.index_cast %rem3A_114 : i32 to index
        %get3A_352 = arith.index_cast %add3A_344 : i32 to index
        %get3A_353 = arith.constant 16 : index
        %get3A_354 = tpu.vector_load %arg6[%get3A_351, %get3A_352, %get3A_353] {strides = array<i32>} : memref<2x800x32xf32, #tpu.memory_space<vmem>>, vector<1x1x16xf32>,
        %get3A_355 = vector.shape_cast %get3A_354 : vector<1x1x16xf32> to vector<16xf32>
        %add3A_356 = arith.addf %add3A_284, %get3A_355 : vector<16xf32>
        %mul3A_357 = arith.constant 8 : i32
        %mul3A_358 = arith.muli %scan3A_259, %mul3A_357 : i32
        %add3A_359 = arith.constant 0 : i32
        %add3A_360 = arith.addi %add3A_359, %mul3A_358 : i32
        %add3A_361 = arith.constant 5 : i32
        %add3A_362 = arith.addi %add3A_360, %add3A_361 : i32
        %get3A_363 = arith.index_cast %rem3A_114 : i32 to index
        %get3A_364 = arith.index_cast %add3A_362 : i32 to index
        %get3A_365 = arith.constant 0 : index
        %get3A_366 = tpu.vector_load %arg6[%get3A_363, %get3A_364, %get3A_365] {strides = array<i32>} : memref<2x800x32xf32, #tpu.memory_space<vmem>>, vector<1x1x16xf32>,
        %get3A_367 = vector.shape_cast %get3A_366 : vector<1x1x16xf32> to vector<16xf32>
        %add3A_368 = arith.addf %add3A_296, %get3A_367 : vector<16xf32>
        %get3A_369 = arith.index_cast %rem3A_114 : i32 to index
        %get3A_370 = arith.index_cast %add3A_362 : i32 to index
        %get3A_371 = arith.constant 16 : index
        %get3A_372 = tpu.vector_load %arg6[%get3A_369, %get3A_370, %get3A_371] {strides = array<i32>} : memref<2x800x32xf32, #tpu.memory_space<vmem>>, vector<1x1x16xf32>,
        %get3A_373 = vector.shape_cast %get3A_372 : vector<1x1x16xf32> to vector<16xf32>
        %add3A_374 = arith.addf %add3A_302, %get3A_373 : vector<16xf32>
        %mul3A_375 = arith.constant 8 : i32
        %mul3A_376 = arith.muli %scan3A_259, %mul3A_375 : i32
        %add3A_377 = arith.constant 0 : i32
        %add3A_378 = arith.addi %add3A_377, %mul3A_376 : i32
        %add3A_379 = arith.constant 6 : i32
        %add3A_380 = arith.addi %add3A_378, %add3A_379 : i32
        %get3A_381 = arith.index_cast %rem3A_114 : i32 to index
        %get3A_382 = arith.index_cast %add3A_380 : i32 to index
        %get3A_383 = arith.constant 0 : index
        %get3A_384 = tpu.vector_load %arg6[%get3A_381, %get3A_382, %get3A_383] {strides = array<i32>} : memref<2x800x32xf32, #tpu.memory_space<vmem>>, vector<1x1x16xf32>,
        %get3A_385 = vector.shape_cast %get3A_384 : vector<1x1x16xf32> to vector<16xf32>
        %add3A_386 = arith.addf %add3A_314, %get3A_385 : vector<16xf32>
        %get3A_387 = arith.index_cast %rem3A_114 : i32 to index
        %get3A_388 = arith.index_cast %add3A_380 : i32 to index
        %get3A_389 = arith.constant 16 : index
        %get3A_390 = tpu.vector_load %arg6[%get3A_387, %get3A_388, %get3A_389] {strides = array<i32>} : memref<2x800x32xf32, #tpu.memory_space<vmem>>, vector<1x1x16xf32>,
        %get3A_391 = vector.shape_cast %get3A_390 : vector<1x1x16xf32> to vector<16xf32>
        %add3A_392 = arith.addf %add3A_320, %get3A_391 : vector<16xf32>
        %mul3A_393 = arith.constant 8 : i32
        %mul3A_394 = arith.muli %scan3A_259, %mul3A_393 : i32
        %add3A_395 = arith.constant 0 : i32
        %add3A_396 = arith.addi %add3A_395, %mul3A_394 : i32
        %add3A_397 = arith.constant 7 : i32
        %add3A_398 = arith.addi %add3A_396, %add3A_397 : i32
        %get3A_399 = arith.index_cast %rem3A_114 : i32 to index
        %get3A_400 = arith.index_cast %add3A_398 : i32 to index
        %get3A_401 = arith.constant 0 : index
        %get3A_402 = tpu.vector_load %arg6[%get3A_399, %get3A_400, %get3A_401] {strides = array<i32>} : memref<2x800x32xf32, #tpu.memory_space<vmem>>, vector<1x1x16xf32>,
        %get3A_403 = vector.shape_cast %get3A_402 : vector<1x1x16xf32> to vector<16xf32>
        %add3A_404 = arith.addf %add3A_332, %get3A_403 : vector<16xf32>
        %get3A_405 = arith.index_cast %rem3A_114 : i32 to index
        %get3A_406 = arith.index_cast %add3A_398 : i32 to index
        %get3A_407 = arith.constant 16 : index
        %get3A_408 = tpu.vector_load %arg6[%get3A_405, %get3A_406, %get3A_407] {strides = array<i32>} : memref<2x800x32xf32, #tpu.memory_space<vmem>>, vector<1x1x16xf32>,
        %get3A_409 = vector.shape_cast %get3A_408 : vector<1x1x16xf32> to vector<16xf32>
        %add3A_410 = arith.addf %add3A_338, %get3A_409 : vector<16xf32>
        scf.yield %add3A_350, %add3A_356, %add3A_368, %add3A_374, %add3A_386, %add3A_392, %add3A_404, %add3A_410 : vector<16xf32>, vector<16xf32>, vector<16xf32>, vector<16xf32>, vector<16xf32>, vector<16xf32>, vector<16xf32>, vector<16xf32>
      }
      %scan3A_136 = arith.constant 25 : i32
      %add3A_137 = arith.addf %scan3A_135#0, %scan3A_135#2 : vector<16xf32>
      %add3A_138 = arith.addf %scan3A_135#4, %scan3A_135#6 : vector<16xf32>
      %add3A_139 = arith.addf %add3A_137, %add3A_138 : vector<16xf32>
      %add3A_140 = arith.addf %scan3A_135#1, %scan3A_135#3 : vector<16xf32>
      %add3A_141 = arith.addf %scan3A_135#5, %scan3A_135#7 : vector<16xf32>
      %add3A_142 = arith.addf %add3A_140, %add3A_141 : vector<16xf32>
      %mul3A_143 = arith.constant 5.000000e-03 : f32
      %mul3A_144 = vector.broadcast %mul3A_143 : f32 to vector<16xf32>
      %mul3A_145 = arith.mulf %add3A_139, %mul3A_144 : vector<16xf32>
      %swap3A = arith.constant 0 : i32
      %swap3A_146 = arith.index_cast %swap3A : i32 to index
      %swap3A_147 = arith.constant 0 : index
      %swap3A_148 = tpu.vector_load %arg7[%swap3A_146, %swap3A_147] {strides = array<i32>} : memref<4x32xf32, #tpu.memory_space<vmem>>, vector<1x16xf32>,
      %swap3A_149 = vector.shape_cast %swap3A_148 : vector<1x16xf32> to vector<16xf32>
      %swap3A_150 = vector.shape_cast %mul3A_145 : vector<16xf32> to vector<1x16xf32>
      tpu.vector_store %arg7[%swap3A_146, %swap3A_147], %swap3A_150 {strides = array<i32>} : memref<4x32xf32, #tpu.memory_space<vmem>>, vector<1x16xf32>,
      %mul3A_151 = arith.constant 5.000000e-03 : f32
      %mul3A_152 = vector.broadcast %mul3A_151 : f32 to vector<16xf32>
      %mul3A_153 = arith.mulf %add3A_142, %mul3A_152 : vector<16xf32>
      %swap3A_154 = arith.constant 0 : i32
      %swap3A_155 = arith.index_cast %swap3A_154 : i32 to index
      %swap3A_156 = arith.constant 16 : index
      %swap3A_157 = tpu.vector_load %arg7[%swap3A_155, %swap3A_156] {strides = array<i32>} : memref<4x32xf32, #tpu.memory_space<vmem>>, vector<1x16xf32>,
      %swap3A_158 = vector.shape_cast %swap3A_157 : vector<1x16xf32> to vector<16xf32>
      %swap3A_159 = vector.shape_cast %mul3A_153 : vector<16xf32> to vector<1x16xf32>
      tpu.vector_store %arg7[%swap3A_155, %swap3A_156], %swap3A_159 {strides = array<i32>} : memref<4x32xf32, #tpu.memory_space<vmem>>, vector<1x16xf32>,
      %broadcast_in_dim3A_160 = arith.constant 0.000000e+00 : f32
      %broadcast_in_dim3A_161 = vector.broadcast %broadcast_in_dim3A_160 : f32 to vector<16xf32>
      %scan3A_162 = arith.constant 0 : i32
      %scan3A_163 = arith.constant 25 : i32
      %scan3A_164 = arith.addi %scan3A_162, %scan3A_163 : i32
      %scan3A_165 = arith.constant 1 : i32
      %scan3A_166:8 = scf.for %scan3A_259 = %scan3A_162 to %scan3A_164 step %scan3A_165 iter_args(%scan3A_260 = %broadcast_in_dim3A_161, %scan3A_261 = %broadcast_in_dim3A_161, %scan3A_262 = %broadcast_in_dim3A_161, %scan3A_263 = %broadcast_in_dim3A_161, %scan3A_264 = %broadcast_in_dim3A_161, %scan3A_265 = %broadcast_in_dim3A_161, %scan3A_266 = %broadcast_in_dim3A_161, %scan3A_267 = %broadcast_in_dim3A_161) -> (vector<16xf32>, vector<16xf32>, vector<16xf32>, vector<16xf32>, vector<16xf32>, vector<16xf32>, vector<16xf32>, vector<16xf32>)  : i32 {
        %mul3A_268 = arith.constant 8 : i32
        %mul3A_269 = arith.muli %scan3A_259, %mul3A_268 : i32
        %add3A_270 = arith.constant 200 : i32
        %add3A_271 = arith.addi %add3A_270, %mul3A_269 : i32
        %add3A_272 = arith.constant 0 : i32
        %add3A_273 = arith.addi %add3A_271, %add3A_272 : i32
        %get3A = arith.index_cast %rem3A_114 : i32 to index
        %get3A_274 = arith.index_cast %add3A_273 : i32 to index
        %get3A_275 = arith.constant 0 : index
        %get3A_276 = tpu.vector_load %arg6[%get3A, %get3A_274, %get3A_275] {strides = array<i32>} : memref<2x800x32xf32, #tpu.memory_space<vmem>>, vector<1x1x16xf32>,
        %get3A_277 = vector.shape_cast %get3A_276 : vector<1x1x16xf32> to vector<16xf32>
        %add3A_278 = arith.addf %scan3A_260, %get3A_277 : vector<16xf32>
        %get3A_279 = arith.index_cast %rem3A_114 : i32 to index
        %get3A_280 = arith.index_cast %add3A_273 : i32 to index
        %get3A_281 = arith.constant 16 : index
        %get3A_282 = tpu.vector_load %arg6[%get3A_279, %get3A_280, %get3A_281] {strides = array<i32>} : memref<2x800x32xf32, #tpu.memory_space<vmem>>, vector<1x1x16xf32>,
        %get3A_283 = vector.shape_cast %get3A_282 : vector<1x1x16xf32> to vector<16xf32>
        %add3A_284 = arith.addf %scan3A_261, %get3A_283 : vector<16xf32>
        %mul3A_285 = arith.constant 8 : i32
        %mul3A_286 = arith.muli %scan3A_259, %mul3A_285 : i32
        %add3A_287 = arith.constant 200 : i32
        %add3A_288 = arith.addi %add3A_287, %mul3A_286 : i32
        %add3A_289 = arith.constant 1 : i32
        %add3A_290 = arith.addi %add3A_288, %add3A_289 : i32
        %get3A_291 = arith.index_cast %rem3A_114 : i32 to index
        %get3A_292 = arith.index_cast %add3A_290 : i32 to index
        %get3A_293 = arith.constant 0 : index
        %get3A_294 = tpu.vector_load %arg6[%get3A_291, %get3A_292, %get3A_293] {strides = array<i32>} : memref<2x800x32xf32, #tpu.memory_space<vmem>>, vector<1x1x16xf32>,
        %get3A_295 = vector.shape_cast %get3A_294 : vector<1x1x16xf32> to vector<16xf32>
        %add3A_296 = arith.addf %scan3A_262, %get3A_295 : vector<16xf32>
        %get3A_297 = arith.index_cast %rem3A_114 : i32 to index
        %get3A_298 = arith.index_cast %add3A_290 : i32 to index
        %get3A_299 = arith.constant 16 : index
        %get3A_300 = tpu.vector_load %arg6[%get3A_297, %get3A_298, %get3A_299] {strides = array<i32>} : memref<2x800x32xf32, #tpu.memory_space<vmem>>, vector<1x1x16xf32>,
        %get3A_301 = vector.shape_cast %get3A_300 : vector<1x1x16xf32> to vector<16xf32>
        %add3A_302 = arith.addf %scan3A_263, %get3A_301 : vector<16xf32>
        %mul3A_303 = arith.constant 8 : i32
        %mul3A_304 = arith.muli %scan3A_259, %mul3A_303 : i32
        %add3A_305 = arith.constant 200 : i32
        %add3A_306 = arith.addi %add3A_305, %mul3A_304 : i32
        %add3A_307 = arith.constant 2 : i32
        %add3A_308 = arith.addi %add3A_306, %add3A_307 : i32
        %get3A_309 = arith.index_cast %rem3A_114 : i32 to index
        %get3A_310 = arith.index_cast %add3A_308 : i32 to index
        %get3A_311 = arith.constant 0 : index
        %get3A_312 = tpu.vector_load %arg6[%get3A_309, %get3A_310, %get3A_311] {strides = array<i32>} : memref<2x800x32xf32, #tpu.memory_space<vmem>>, vector<1x1x16xf32>,
        %get3A_313 = vector.shape_cast %get3A_312 : vector<1x1x16xf32> to vector<16xf32>
        %add3A_314 = arith.addf %scan3A_264, %get3A_313 : vector<16xf32>
        %get3A_315 = arith.index_cast %rem3A_114 : i32 to index
        %get3A_316 = arith.index_cast %add3A_308 : i32 to index
        %get3A_317 = arith.constant 16 : index
        %get3A_318 = tpu.vector_load %arg6[%get3A_315, %get3A_316, %get3A_317] {strides = array<i32>} : memref<2x800x32xf32, #tpu.memory_space<vmem>>, vector<1x1x16xf32>,
        %get3A_319 = vector.shape_cast %get3A_318 : vector<1x1x16xf32> to vector<16xf32>
        %add3A_320 = arith.addf %scan3A_265, %get3A_319 : vector<16xf32>
        %mul3A_321 = arith.constant 8 : i32
        %mul3A_322 = arith.muli %scan3A_259, %mul3A_321 : i32
        %add3A_323 = arith.constant 200 : i32
        %add3A_324 = arith.addi %add3A_323, %mul3A_322 : i32
        %add3A_325 = arith.constant 3 : i32
        %add3A_326 = arith.addi %add3A_324, %add3A_325 : i32
        %get3A_327 = arith.index_cast %rem3A_114 : i32 to index
        %get3A_328 = arith.index_cast %add3A_326 : i32 to index
        %get3A_329 = arith.constant 0 : index
        %get3A_330 = tpu.vector_load %arg6[%get3A_327, %get3A_328, %get3A_329] {strides = array<i32>} : memref<2x800x32xf32, #tpu.memory_space<vmem>>, vector<1x1x16xf32>,
        %get3A_331 = vector.shape_cast %get3A_330 : vector<1x1x16xf32> to vector<16xf32>
        %add3A_332 = arith.addf %scan3A_266, %get3A_331 : vector<16xf32>
        %get3A_333 = arith.index_cast %rem3A_114 : i32 to index
        %get3A_334 = arith.index_cast %add3A_326 : i32 to index
        %get3A_335 = arith.constant 16 : index
        %get3A_336 = tpu.vector_load %arg6[%get3A_333, %get3A_334, %get3A_335] {strides = array<i32>} : memref<2x800x32xf32, #tpu.memory_space<vmem>>, vector<1x1x16xf32>,
        %get3A_337 = vector.shape_cast %get3A_336 : vector<1x1x16xf32> to vector<16xf32>
        %add3A_338 = arith.addf %scan3A_267, %get3A_337 : vector<16xf32>
        %mul3A_339 = arith.constant 8 : i32
        %mul3A_340 = arith.muli %scan3A_259, %mul3A_339 : i32
        %add3A_341 = arith.constant 200 : i32
        %add3A_342 = arith.addi %add3A_341, %mul3A_340 : i32
        %add3A_343 = arith.constant 4 : i32
        %add3A_344 = arith.addi %add3A_342, %add3A_343 : i32
        %get3A_345 = arith.index_cast %rem3A_114 : i32 to index
        %get3A_346 = arith.index_cast %add3A_344 : i32 to index
        %get3A_347 = arith.constant 0 : index
        %get3A_348 = tpu.vector_load %arg6[%get3A_345, %get3A_346, %get3A_347] {strides = array<i32>} : memref<2x800x32xf32, #tpu.memory_space<vmem>>, vector<1x1x16xf32>,
        %get3A_349 = vector.shape_cast %get3A_348 : vector<1x1x16xf32> to vector<16xf32>
        %add3A_350 = arith.addf %add3A_278, %get3A_349 : vector<16xf32>
        %get3A_351 = arith.index_cast %rem3A_114 : i32 to index
        %get3A_352 = arith.index_cast %add3A_344 : i32 to index
        %get3A_353 = arith.constant 16 : index
        %get3A_354 = tpu.vector_load %arg6[%get3A_351, %get3A_352, %get3A_353] {strides = array<i32>} : memref<2x800x32xf32, #tpu.memory_space<vmem>>, vector<1x1x16xf32>,
        %get3A_355 = vector.shape_cast %get3A_354 : vector<1x1x16xf32> to vector<16xf32>
        %add3A_356 = arith.addf %add3A_284, %get3A_355 : vector<16xf32>
        %mul3A_357 = arith.constant 8 : i32
        %mul3A_358 = arith.muli %scan3A_259, %mul3A_357 : i32
        %add3A_359 = arith.constant 200 : i32
        %add3A_360 = arith.addi %add3A_359, %mul3A_358 : i32
        %add3A_361 = arith.constant 5 : i32
        %add3A_362 = arith.addi %add3A_360, %add3A_361 : i32
        %get3A_363 = arith.index_cast %rem3A_114 : i32 to index
        %get3A_364 = arith.index_cast %add3A_362 : i32 to index
        %get3A_365 = arith.constant 0 : index
        %get3A_366 = tpu.vector_load %arg6[%get3A_363, %get3A_364, %get3A_365] {strides = array<i32>} : memref<2x800x32xf32, #tpu.memory_space<vmem>>, vector<1x1x16xf32>,
        %get3A_367 = vector.shape_cast %get3A_366 : vector<1x1x16xf32> to vector<16xf32>
        %add3A_368 = arith.addf %add3A_296, %get3A_367 : vector<16xf32>
        %get3A_369 = arith.index_cast %rem3A_114 : i32 to index
        %get3A_370 = arith.index_cast %add3A_362 : i32 to index
        %get3A_371 = arith.constant 16 : index
        %get3A_372 = tpu.vector_load %arg6[%get3A_369, %get3A_370, %get3A_371] {strides = array<i32>} : memref<2x800x32xf32, #tpu.memory_space<vmem>>, vector<1x1x16xf32>,
        %get3A_373 = vector.shape_cast %get3A_372 : vector<1x1x16xf32> to vector<16xf32>
        %add3A_374 = arith.addf %add3A_302, %get3A_373 : vector<16xf32>
        %mul3A_375 = arith.constant 8 : i32
        %mul3A_376 = arith.muli %scan3A_259, %mul3A_375 : i32
        %add3A_377 = arith.constant 200 : i32
        %add3A_378 = arith.addi %add3A_377, %mul3A_376 : i32
        %add3A_379 = arith.constant 6 : i32
        %add3A_380 = arith.addi %add3A_378, %add3A_379 : i32
        %get3A_381 = arith.index_cast %rem3A_114 : i32 to index
        %get3A_382 = arith.index_cast %add3A_380 : i32 to index
        %get3A_383 = arith.constant 0 : index
        %get3A_384 = tpu.vector_load %arg6[%get3A_381, %get3A_382, %get3A_383] {strides = array<i32>} : memref<2x800x32xf32, #tpu.memory_space<vmem>>, vector<1x1x16xf32>,
        %get3A_385 = vector.shape_cast %get3A_384 : vector<1x1x16xf32> to vector<16xf32>
        %add3A_386 = arith.addf %add3A_314, %get3A_385 : vector<16xf32>
        %get3A_387 = arith.index_cast %rem3A_114 : i32 to index
        %get3A_388 = arith.index_cast %add3A_380 : i32 to index
        %get3A_389 = arith.constant 16 : index
        %get3A_390 = tpu.vector_load %arg6[%get3A_387, %get3A_388, %get3A_389] {strides = array<i32>} : memref<2x800x32xf32, #tpu.memory_space<vmem>>, vector<1x1x16xf32>,
        %get3A_391 = vector.shape_cast %get3A_390 : vector<1x1x16xf32> to vector<16xf32>
        %add3A_392 = arith.addf %add3A_320, %get3A_391 : vector<16xf32>
        %mul3A_393 = arith.constant 8 : i32
        %mul3A_394 = arith.muli %scan3A_259, %mul3A_393 : i32
        %add3A_395 = arith.constant 200 : i32
        %add3A_396 = arith.addi %add3A_395, %mul3A_394 : i32
        %add3A_397 = arith.constant 7 : i32
        %add3A_398 = arith.addi %add3A_396, %add3A_397 : i32
        %get3A_399 = arith.index_cast %rem3A_114 : i32 to index
        %get3A_400 = arith.index_cast %add3A_398 : i32 to index
        %get3A_401 = arith.constant 0 : index
        %get3A_402 = tpu.vector_load %arg6[%get3A_399, %get3A_400, %get3A_401] {strides = array<i32>} : memref<2x800x32xf32, #tpu.memory_space<vmem>>, vector<1x1x16xf32>,
        %get3A_403 = vector.shape_cast %get3A_402 : vector<1x1x16xf32> to vector<16xf32>
        %add3A_404 = arith.addf %add3A_332, %get3A_403 : vector<16xf32>
        %get3A_405 = arith.index_cast %rem3A_114 : i32 to index
        %get3A_406 = arith.index_cast %add3A_398 : i32 to index
        %get3A_407 = arith.constant 16 : index
        %get3A_408 = tpu.vector_load %arg6[%get3A_405, %get3A_406, %get3A_407] {strides = array<i32>} : memref<2x800x32xf32, #tpu.memory_space<vmem>>, vector<1x1x16xf32>,
        %get3A_409 = vector.shape_cast %get3A_408 : vector<1x1x16xf32> to vector<16xf32>
        %add3A_410 = arith.addf %add3A_338, %get3A_409 : vector<16xf32>
        scf.yield %add3A_350, %add3A_356, %add3A_368, %add3A_374, %add3A_386, %add3A_392, %add3A_404, %add3A_410 : vector<16xf32>, vector<16xf32>, vector<16xf32>, vector<16xf32>, vector<16xf32>, vector<16xf32>, vector<16xf32>, vector<16xf32>
      }
      %scan3A_167 = arith.constant 25 : i32
      %add3A_168 = arith.addf %scan3A_166#0, %scan3A_166#2 : vector<16xf32>
      %add3A_169 = arith.addf %scan3A_166#4, %scan3A_166#6 : vector<16xf32>
      %add3A_170 = arith.addf %add3A_168, %add3A_169 : vector<16xf32>
      %add3A_171 = arith.addf %scan3A_166#1, %scan3A_166#3 : vector<16xf32>
      %add3A_172 = arith.addf %scan3A_166#5, %scan3A_166#7 : vector<16xf32>
      %add3A_173 = arith.addf %add3A_171, %add3A_172 : vector<16xf32>
      %mul3A_174 = arith.constant 5.000000e-03 : f32
      %mul3A_175 = vector.broadcast %mul3A_174 : f32 to vector<16xf32>
      %mul3A_176 = arith.mulf %add3A_170, %mul3A_175 : vector<16xf32>
      %swap3A_177 = arith.constant 1 : i32
      %swap3A_178 = arith.index_cast %swap3A_177 : i32 to index
      %swap3A_179 = arith.constant 0 : index
      %swap3A_180 = tpu.vector_load %arg7[%swap3A_178, %swap3A_179] {strides = array<i32>} : memref<4x32xf32, #tpu.memory_space<vmem>>, vector<1x16xf32>,
      %swap3A_181 = vector.shape_cast %swap3A_180 : vector<1x16xf32> to vector<16xf32>
      %swap3A_182 = vector.shape_cast %mul3A_176 : vector<16xf32> to vector<1x16xf32>
      tpu.vector_store %arg7[%swap3A_178, %swap3A_179], %swap3A_182 {strides = array<i32>} : memref<4x32xf32, #tpu.memory_space<vmem>>, vector<1x16xf32>,
      %mul3A_183 = arith.constant 5.000000e-03 : f32
      %mul3A_184 = vector.broadcast %mul3A_183 : f32 to vector<16xf32>
      %mul3A_185 = arith.mulf %add3A_173, %mul3A_184 : vector<16xf32>
      %swap3A_186 = arith.constant 1 : i32
      %swap3A_187 = arith.index_cast %swap3A_186 : i32 to index
      %swap3A_188 = arith.constant 16 : index
      %swap3A_189 = tpu.vector_load %arg7[%swap3A_187, %swap3A_188] {strides = array<i32>} : memref<4x32xf32, #tpu.memory_space<vmem>>, vector<1x16xf32>,
      %swap3A_190 = vector.shape_cast %swap3A_189 : vector<1x16xf32> to vector<16xf32>
      %swap3A_191 = vector.shape_cast %mul3A_185 : vector<16xf32> to vector<1x16xf32>
      tpu.vector_store %arg7[%swap3A_187, %swap3A_188], %swap3A_191 {strides = array<i32>} : memref<4x32xf32, #tpu.memory_space<vmem>>, vector<1x16xf32>,
      %broadcast_in_dim3A_192 = arith.constant 0.000000e+00 : f32
      %broadcast_in_dim3A_193 = vector.broadcast %broadcast_in_dim3A_192 : f32 to vector<16xf32>
      %scan3A_194 = arith.constant 0 : i32
      %scan3A_195 = arith.constant 25 : i32
      %scan3A_196 = arith.addi %scan3A_194, %scan3A_195 : i32
      %scan3A_197 = arith.constant 1 : i32
      %scan3A_198:8 = scf.for %scan3A_259 = %scan3A_194 to %scan3A_196 step %scan3A_197 iter_args(%scan3A_260 = %broadcast_in_dim3A_193, %scan3A_261 = %broadcast_in_dim3A_193, %scan3A_262 = %broadcast_in_dim3A_193, %scan3A_263 = %broadcast_in_dim3A_193, %scan3A_264 = %broadcast_in_dim3A_193, %scan3A_265 = %broadcast_in_dim3A_193, %scan3A_266 = %broadcast_in_dim3A_193, %scan3A_267 = %broadcast_in_dim3A_193) -> (vector<16xf32>, vector<16xf32>, vector<16xf32>, vector<16xf32>, vector<16xf32>, vector<16xf32>, vector<16xf32>, vector<16xf32>)  : i32 {
        %mul3A_268 = arith.constant 8 : i32
        %mul3A_269 = arith.muli %scan3A_259, %mul3A_268 : i32
        %add3A_270 = arith.constant 400 : i32
        %add3A_271 = arith.addi %add3A_270, %mul3A_269 : i32
        %add3A_272 = arith.constant 0 : i32
        %add3A_273 = arith.addi %add3A_271, %add3A_272 : i32
        %get3A = arith.index_cast %rem3A_114 : i32 to index
        %get3A_274 = arith.index_cast %add3A_273 : i32 to index
        %get3A_275 = arith.constant 0 : index
        %get3A_276 = tpu.vector_load %arg6[%get3A, %get3A_274, %get3A_275] {strides = array<i32>} : memref<2x800x32xf32, #tpu.memory_space<vmem>>, vector<1x1x16xf32>,
        %get3A_277 = vector.shape_cast %get3A_276 : vector<1x1x16xf32> to vector<16xf32>
        %add3A_278 = arith.addf %scan3A_260, %get3A_277 : vector<16xf32>
        %get3A_279 = arith.index_cast %rem3A_114 : i32 to index
        %get3A_280 = arith.index_cast %add3A_273 : i32 to index
        %get3A_281 = arith.constant 16 : index
        %get3A_282 = tpu.vector_load %arg6[%get3A_279, %get3A_280, %get3A_281] {strides = array<i32>} : memref<2x800x32xf32, #tpu.memory_space<vmem>>, vector<1x1x16xf32>,
        %get3A_283 = vector.shape_cast %get3A_282 : vector<1x1x16xf32> to vector<16xf32>
        %add3A_284 = arith.addf %scan3A_261, %get3A_283 : vector<16xf32>
        %mul3A_285 = arith.constant 8 : i32
        %mul3A_286 = arith.muli %scan3A_259, %mul3A_285 : i32
        %add3A_287 = arith.constant 400 : i32
        %add3A_288 = arith.addi %add3A_287, %mul3A_286 : i32
        %add3A_289 = arith.constant 1 : i32
        %add3A_290 = arith.addi %add3A_288, %add3A_289 : i32
        %get3A_291 = arith.index_cast %rem3A_114 : i32 to index
        %get3A_292 = arith.index_cast %add3A_290 : i32 to index
        %get3A_293 = arith.constant 0 : index
        %get3A_294 = tpu.vector_load %arg6[%get3A_291, %get3A_292, %get3A_293] {strides = array<i32>} : memref<2x800x32xf32, #tpu.memory_space<vmem>>, vector<1x1x16xf32>,
        %get3A_295 = vector.shape_cast %get3A_294 : vector<1x1x16xf32> to vector<16xf32>
        %add3A_296 = arith.addf %scan3A_262, %get3A_295 : vector<16xf32>
        %get3A_297 = arith.index_cast %rem3A_114 : i32 to index
        %get3A_298 = arith.index_cast %add3A_290 : i32 to index
        %get3A_299 = arith.constant 16 : index
        %get3A_300 = tpu.vector_load %arg6[%get3A_297, %get3A_298, %get3A_299] {strides = array<i32>} : memref<2x800x32xf32, #tpu.memory_space<vmem>>, vector<1x1x16xf32>,
        %get3A_301 = vector.shape_cast %get3A_300 : vector<1x1x16xf32> to vector<16xf32>
        %add3A_302 = arith.addf %scan3A_263, %get3A_301 : vector<16xf32>
        %mul3A_303 = arith.constant 8 : i32
        %mul3A_304 = arith.muli %scan3A_259, %mul3A_303 : i32
        %add3A_305 = arith.constant 400 : i32
        %add3A_306 = arith.addi %add3A_305, %mul3A_304 : i32
        %add3A_307 = arith.constant 2 : i32
        %add3A_308 = arith.addi %add3A_306, %add3A_307 : i32
        %get3A_309 = arith.index_cast %rem3A_114 : i32 to index
        %get3A_310 = arith.index_cast %add3A_308 : i32 to index
        %get3A_311 = arith.constant 0 : index
        %get3A_312 = tpu.vector_load %arg6[%get3A_309, %get3A_310, %get3A_311] {strides = array<i32>} : memref<2x800x32xf32, #tpu.memory_space<vmem>>, vector<1x1x16xf32>,
        %get3A_313 = vector.shape_cast %get3A_312 : vector<1x1x16xf32> to vector<16xf32>
        %add3A_314 = arith.addf %scan3A_264, %get3A_313 : vector<16xf32>
        %get3A_315 = arith.index_cast %rem3A_114 : i32 to index
        %get3A_316 = arith.index_cast %add3A_308 : i32 to index
        %get3A_317 = arith.constant 16 : index
        %get3A_318 = tpu.vector_load %arg6[%get3A_315, %get3A_316, %get3A_317] {strides = array<i32>} : memref<2x800x32xf32, #tpu.memory_space<vmem>>, vector<1x1x16xf32>,
        %get3A_319 = vector.shape_cast %get3A_318 : vector<1x1x16xf32> to vector<16xf32>
        %add3A_320 = arith.addf %scan3A_265, %get3A_319 : vector<16xf32>
        %mul3A_321 = arith.constant 8 : i32
        %mul3A_322 = arith.muli %scan3A_259, %mul3A_321 : i32
        %add3A_323 = arith.constant 400 : i32
        %add3A_324 = arith.addi %add3A_323, %mul3A_322 : i32
        %add3A_325 = arith.constant 3 : i32
        %add3A_326 = arith.addi %add3A_324, %add3A_325 : i32
        %get3A_327 = arith.index_cast %rem3A_114 : i32 to index
        %get3A_328 = arith.index_cast %add3A_326 : i32 to index
        %get3A_329 = arith.constant 0 : index
        %get3A_330 = tpu.vector_load %arg6[%get3A_327, %get3A_328, %get3A_329] {strides = array<i32>} : memref<2x800x32xf32, #tpu.memory_space<vmem>>, vector<1x1x16xf32>,
        %get3A_331 = vector.shape_cast %get3A_330 : vector<1x1x16xf32> to vector<16xf32>
        %add3A_332 = arith.addf %scan3A_266, %get3A_331 : vector<16xf32>
        %get3A_333 = arith.index_cast %rem3A_114 : i32 to index
        %get3A_334 = arith.index_cast %add3A_326 : i32 to index
        %get3A_335 = arith.constant 16 : index
        %get3A_336 = tpu.vector_load %arg6[%get3A_333, %get3A_334, %get3A_335] {strides = array<i32>} : memref<2x800x32xf32, #tpu.memory_space<vmem>>, vector<1x1x16xf32>,
        %get3A_337 = vector.shape_cast %get3A_336 : vector<1x1x16xf32> to vector<16xf32>
        %add3A_338 = arith.addf %scan3A_267, %get3A_337 : vector<16xf32>
        %mul3A_339 = arith.constant 8 : i32
        %mul3A_340 = arith.muli %scan3A_259, %mul3A_339 : i32
        %add3A_341 = arith.constant 400 : i32
        %add3A_342 = arith.addi %add3A_341, %mul3A_340 : i32
        %add3A_343 = arith.constant 4 : i32
        %add3A_344 = arith.addi %add3A_342, %add3A_343 : i32
        %get3A_345 = arith.index_cast %rem3A_114 : i32 to index
        %get3A_346 = arith.index_cast %add3A_344 : i32 to index
        %get3A_347 = arith.constant 0 : index
        %get3A_348 = tpu.vector_load %arg6[%get3A_345, %get3A_346, %get3A_347] {strides = array<i32>} : memref<2x800x32xf32, #tpu.memory_space<vmem>>, vector<1x1x16xf32>,
        %get3A_349 = vector.shape_cast %get3A_348 : vector<1x1x16xf32> to vector<16xf32>
        %add3A_350 = arith.addf %add3A_278, %get3A_349 : vector<16xf32>
        %get3A_351 = arith.index_cast %rem3A_114 : i32 to index
        %get3A_352 = arith.index_cast %add3A_344 : i32 to index
        %get3A_353 = arith.constant 16 : index
        %get3A_354 = tpu.vector_load %arg6[%get3A_351, %get3A_352, %get3A_353] {strides = array<i32>} : memref<2x800x32xf32, #tpu.memory_space<vmem>>, vector<1x1x16xf32>,
        %get3A_355 = vector.shape_cast %get3A_354 : vector<1x1x16xf32> to vector<16xf32>
        %add3A_356 = arith.addf %add3A_284, %get3A_355 : vector<16xf32>
        %mul3A_357 = arith.constant 8 : i32
        %mul3A_358 = arith.muli %scan3A_259, %mul3A_357 : i32
        %add3A_359 = arith.constant 400 : i32
        %add3A_360 = arith.addi %add3A_359, %mul3A_358 : i32
        %add3A_361 = arith.constant 5 : i32
        %add3A_362 = arith.addi %add3A_360, %add3A_361 : i32
        %get3A_363 = arith.index_cast %rem3A_114 : i32 to index
        %get3A_364 = arith.index_cast %add3A_362 : i32 to index
        %get3A_365 = arith.constant 0 : index
        %get3A_366 = tpu.vector_load %arg6[%get3A_363, %get3A_364, %get3A_365] {strides = array<i32>} : memref<2x800x32xf32, #tpu.memory_space<vmem>>, vector<1x1x16xf32>,
        %get3A_367 = vector.shape_cast %get3A_366 : vector<1x1x16xf32> to vector<16xf32>
        %add3A_368 = arith.addf %add3A_296, %get3A_367 : vector<16xf32>
        %get3A_369 = arith.index_cast %rem3A_114 : i32 to index
        %get3A_370 = arith.index_cast %add3A_362 : i32 to index
        %get3A_371 = arith.constant 16 : index
        %get3A_372 = tpu.vector_load %arg6[%get3A_369, %get3A_370, %get3A_371] {strides = array<i32>} : memref<2x800x32xf32, #tpu.memory_space<vmem>>, vector<1x1x16xf32>,
        %get3A_373 = vector.shape_cast %get3A_372 : vector<1x1x16xf32> to vector<16xf32>
        %add3A_374 = arith.addf %add3A_302, %get3A_373 : vector<16xf32>
        %mul3A_375 = arith.constant 8 : i32
        %mul3A_376 = arith.muli %scan3A_259, %mul3A_375 : i32
        %add3A_377 = arith.constant 400 : i32
        %add3A_378 = arith.addi %add3A_377, %mul3A_376 : i32
        %add3A_379 = arith.constant 6 : i32
        %add3A_380 = arith.addi %add3A_378, %add3A_379 : i32
        %get3A_381 = arith.index_cast %rem3A_114 : i32 to index
        %get3A_382 = arith.index_cast %add3A_380 : i32 to index
        %get3A_383 = arith.constant 0 : index
        %get3A_384 = tpu.vector_load %arg6[%get3A_381, %get3A_382, %get3A_383] {strides = array<i32>} : memref<2x800x32xf32, #tpu.memory_space<vmem>>, vector<1x1x16xf32>,
        %get3A_385 = vector.shape_cast %get3A_384 : vector<1x1x16xf32> to vector<16xf32>
        %add3A_386 = arith.addf %add3A_314, %get3A_385 : vector<16xf32>
        %get3A_387 = arith.index_cast %rem3A_114 : i32 to index
        %get3A_388 = arith.index_cast %add3A_380 : i32 to index
        %get3A_389 = arith.constant 16 : index
        %get3A_390 = tpu.vector_load %arg6[%get3A_387, %get3A_388, %get3A_389] {strides = array<i32>} : memref<2x800x32xf32, #tpu.memory_space<vmem>>, vector<1x1x16xf32>,
        %get3A_391 = vector.shape_cast %get3A_390 : vector<1x1x16xf32> to vector<16xf32>
        %add3A_392 = arith.addf %add3A_320, %get3A_391 : vector<16xf32>
        %mul3A_393 = arith.constant 8 : i32
        %mul3A_394 = arith.muli %scan3A_259, %mul3A_393 : i32
        %add3A_395 = arith.constant 400 : i32
        %add3A_396 = arith.addi %add3A_395, %mul3A_394 : i32
        %add3A_397 = arith.constant 7 : i32
        %add3A_398 = arith.addi %add3A_396, %add3A_397 : i32
        %get3A_399 = arith.index_cast %rem3A_114 : i32 to index
        %get3A_400 = arith.index_cast %add3A_398 : i32 to index
        %get3A_401 = arith.constant 0 : index
        %get3A_402 = tpu.vector_load %arg6[%get3A_399, %get3A_400, %get3A_401] {strides = array<i32>} : memref<2x800x32xf32, #tpu.memory_space<vmem>>, vector<1x1x16xf32>,
        %get3A_403 = vector.shape_cast %get3A_402 : vector<1x1x16xf32> to vector<16xf32>
        %add3A_404 = arith.addf %add3A_332, %get3A_403 : vector<16xf32>
        %get3A_405 = arith.index_cast %rem3A_114 : i32 to index
        %get3A_406 = arith.index_cast %add3A_398 : i32 to index
        %get3A_407 = arith.constant 16 : index
        %get3A_408 = tpu.vector_load %arg6[%get3A_405, %get3A_406, %get3A_407] {strides = array<i32>} : memref<2x800x32xf32, #tpu.memory_space<vmem>>, vector<1x1x16xf32>,
        %get3A_409 = vector.shape_cast %get3A_408 : vector<1x1x16xf32> to vector<16xf32>
        %add3A_410 = arith.addf %add3A_338, %get3A_409 : vector<16xf32>
        scf.yield %add3A_350, %add3A_356, %add3A_368, %add3A_374, %add3A_386, %add3A_392, %add3A_404, %add3A_410 : vector<16xf32>, vector<16xf32>, vector<16xf32>, vector<16xf32>, vector<16xf32>, vector<16xf32>, vector<16xf32>, vector<16xf32>
      }
      %scan3A_199 = arith.constant 25 : i32
      %add3A_200 = arith.addf %scan3A_198#0, %scan3A_198#2 : vector<16xf32>
      %add3A_201 = arith.addf %scan3A_198#4, %scan3A_198#6 : vector<16xf32>
      %add3A_202 = arith.addf %add3A_200, %add3A_201 : vector<16xf32>
      %add3A_203 = arith.addf %scan3A_198#1, %scan3A_198#3 : vector<16xf32>
      %add3A_204 = arith.addf %scan3A_198#5, %scan3A_198#7 : vector<16xf32>
      %add3A_205 = arith.addf %add3A_203, %add3A_204 : vector<16xf32>
      %mul3A_206 = arith.constant 5.000000e-03 : f32
      %mul3A_207 = vector.broadcast %mul3A_206 : f32 to vector<16xf32>
      %mul3A_208 = arith.mulf %add3A_202, %mul3A_207 : vector<16xf32>
      %swap3A_209 = arith.constant 2 : i32
      %swap3A_210 = arith.index_cast %swap3A_209 : i32 to index
      %swap3A_211 = arith.constant 0 : index
      %swap3A_212 = tpu.vector_load %arg7[%swap3A_210, %swap3A_211] {strides = array<i32>} : memref<4x32xf32, #tpu.memory_space<vmem>>, vector<1x16xf32>,
      %swap3A_213 = vector.shape_cast %swap3A_212 : vector<1x16xf32> to vector<16xf32>
      %swap3A_214 = vector.shape_cast %mul3A_208 : vector<16xf32> to vector<1x16xf32>
      tpu.vector_store %arg7[%swap3A_210, %swap3A_211], %swap3A_214 {strides = array<i32>} : memref<4x32xf32, #tpu.memory_space<vmem>>, vector<1x16xf32>,
      %mul3A_215 = arith.constant 5.000000e-03 : f32
      %mul3A_216 = vector.broadcast %mul3A_215 : f32 to vector<16xf32>
      %mul3A_217 = arith.mulf %add3A_205, %mul3A_216 : vector<16xf32>
      %swap3A_218 = arith.constant 2 : i32
      %swap3A_219 = arith.index_cast %swap3A_218 : i32 to index
      %swap3A_220 = arith.constant 16 : index
      %swap3A_221 = tpu.vector_load %arg7[%swap3A_219, %swap3A_220] {strides = array<i32>} : memref<4x32xf32, #tpu.memory_space<vmem>>, vector<1x16xf32>,
      %swap3A_222 = vector.shape_cast %swap3A_221 : vector<1x16xf32> to vector<16xf32>
      %swap3A_223 = vector.shape_cast %mul3A_217 : vector<16xf32> to vector<1x16xf32>
      tpu.vector_store %arg7[%swap3A_219, %swap3A_220], %swap3A_223 {strides = array<i32>} : memref<4x32xf32, #tpu.memory_space<vmem>>, vector<1x16xf32>,
      %broadcast_in_dim3A_224 = arith.constant 0.000000e+00 : f32
      %broadcast_in_dim3A_225 = vector.broadcast %broadcast_in_dim3A_224 : f32 to vector<16xf32>
      %scan3A_226 = arith.constant 0 : i32
      %scan3A_227 = arith.constant 25 : i32
      %scan3A_228 = arith.addi %scan3A_226, %scan3A_227 : i32
      %scan3A_229 = arith.constant 1 : i32
      %scan3A_230:8 = scf.for %scan3A_259 = %scan3A_226 to %scan3A_228 step %scan3A_229 iter_args(%scan3A_260 = %broadcast_in_dim3A_225, %scan3A_261 = %broadcast_in_dim3A_225, %scan3A_262 = %broadcast_in_dim3A_225, %scan3A_263 = %broadcast_in_dim3A_225, %scan3A_264 = %broadcast_in_dim3A_225, %scan3A_265 = %broadcast_in_dim3A_225, %scan3A_266 = %broadcast_in_dim3A_225, %scan3A_267 = %broadcast_in_dim3A_225) -> (vector<16xf32>, vector<16xf32>, vector<16xf32>, vector<16xf32>, vector<16xf32>, vector<16xf32>, vector<16xf32>, vector<16xf32>)  : i32 {
        %mul3A_268 = arith.constant 8 : i32
        %mul3A_269 = arith.muli %scan3A_259, %mul3A_268 : i32
        %add3A_270 = arith.constant 600 : i32
        %add3A_271 = arith.addi %add3A_270, %mul3A_269 : i32
        %add3A_272 = arith.constant 0 : i32
        %add3A_273 = arith.addi %add3A_271, %add3A_272 : i32
        %get3A = arith.index_cast %rem3A_114 : i32 to index
        %get3A_274 = arith.index_cast %add3A_273 : i32 to index
        %get3A_275 = arith.constant 0 : index
        %get3A_276 = tpu.vector_load %arg6[%get3A, %get3A_274, %get3A_275] {strides = array<i32>} : memref<2x800x32xf32, #tpu.memory_space<vmem>>, vector<1x1x16xf32>,
        %get3A_277 = vector.shape_cast %get3A_276 : vector<1x1x16xf32> to vector<16xf32>
        %add3A_278 = arith.addf %scan3A_260, %get3A_277 : vector<16xf32>
        %get3A_279 = arith.index_cast %rem3A_114 : i32 to index
        %get3A_280 = arith.index_cast %add3A_273 : i32 to index
        %get3A_281 = arith.constant 16 : index
        %get3A_282 = tpu.vector_load %arg6[%get3A_279, %get3A_280, %get3A_281] {strides = array<i32>} : memref<2x800x32xf32, #tpu.memory_space<vmem>>, vector<1x1x16xf32>,
        %get3A_283 = vector.shape_cast %get3A_282 : vector<1x1x16xf32> to vector<16xf32>
        %add3A_284 = arith.addf %scan3A_261, %get3A_283 : vector<16xf32>
        %mul3A_285 = arith.constant 8 : i32
        %mul3A_286 = arith.muli %scan3A_259, %mul3A_285 : i32
        %add3A_287 = arith.constant 600 : i32
        %add3A_288 = arith.addi %add3A_287, %mul3A_286 : i32
        %add3A_289 = arith.constant 1 : i32
        %add3A_290 = arith.addi %add3A_288, %add3A_289 : i32
        %get3A_291 = arith.index_cast %rem3A_114 : i32 to index
        %get3A_292 = arith.index_cast %add3A_290 : i32 to index
        %get3A_293 = arith.constant 0 : index
        %get3A_294 = tpu.vector_load %arg6[%get3A_291, %get3A_292, %get3A_293] {strides = array<i32>} : memref<2x800x32xf32, #tpu.memory_space<vmem>>, vector<1x1x16xf32>,
        %get3A_295 = vector.shape_cast %get3A_294 : vector<1x1x16xf32> to vector<16xf32>
        %add3A_296 = arith.addf %scan3A_262, %get3A_295 : vector<16xf32>
        %get3A_297 = arith.index_cast %rem3A_114 : i32 to index
        %get3A_298 = arith.index_cast %add3A_290 : i32 to index
        %get3A_299 = arith.constant 16 : index
        %get3A_300 = tpu.vector_load %arg6[%get3A_297, %get3A_298, %get3A_299] {strides = array<i32>} : memref<2x800x32xf32, #tpu.memory_space<vmem>>, vector<1x1x16xf32>,
        %get3A_301 = vector.shape_cast %get3A_300 : vector<1x1x16xf32> to vector<16xf32>
        %add3A_302 = arith.addf %scan3A_263, %get3A_301 : vector<16xf32>
        %mul3A_303 = arith.constant 8 : i32
        %mul3A_304 = arith.muli %scan3A_259, %mul3A_303 : i32
        %add3A_305 = arith.constant 600 : i32
        %add3A_306 = arith.addi %add3A_305, %mul3A_304 : i32
        %add3A_307 = arith.constant 2 : i32
        %add3A_308 = arith.addi %add3A_306, %add3A_307 : i32
        %get3A_309 = arith.index_cast %rem3A_114 : i32 to index
        %get3A_310 = arith.index_cast %add3A_308 : i32 to index
        %get3A_311 = arith.constant 0 : index
        %get3A_312 = tpu.vector_load %arg6[%get3A_309, %get3A_310, %get3A_311] {strides = array<i32>} : memref<2x800x32xf32, #tpu.memory_space<vmem>>, vector<1x1x16xf32>,
        %get3A_313 = vector.shape_cast %get3A_312 : vector<1x1x16xf32> to vector<16xf32>
        %add3A_314 = arith.addf %scan3A_264, %get3A_313 : vector<16xf32>
        %get3A_315 = arith.index_cast %rem3A_114 : i32 to index
        %get3A_316 = arith.index_cast %add3A_308 : i32 to index
        %get3A_317 = arith.constant 16 : index
        %get3A_318 = tpu.vector_load %arg6[%get3A_315, %get3A_316, %get3A_317] {strides = array<i32>} : memref<2x800x32xf32, #tpu.memory_space<vmem>>, vector<1x1x16xf32>,
        %get3A_319 = vector.shape_cast %get3A_318 : vector<1x1x16xf32> to vector<16xf32>
        %add3A_320 = arith.addf %scan3A_265, %get3A_319 : vector<16xf32>
        %mul3A_321 = arith.constant 8 : i32
        %mul3A_322 = arith.muli %scan3A_259, %mul3A_321 : i32
        %add3A_323 = arith.constant 600 : i32
        %add3A_324 = arith.addi %add3A_323, %mul3A_322 : i32
        %add3A_325 = arith.constant 3 : i32
        %add3A_326 = arith.addi %add3A_324, %add3A_325 : i32
        %get3A_327 = arith.index_cast %rem3A_114 : i32 to index
        %get3A_328 = arith.index_cast %add3A_326 : i32 to index
        %get3A_329 = arith.constant 0 : index
        %get3A_330 = tpu.vector_load %arg6[%get3A_327, %get3A_328, %get3A_329] {strides = array<i32>} : memref<2x800x32xf32, #tpu.memory_space<vmem>>, vector<1x1x16xf32>,
        %get3A_331 = vector.shape_cast %get3A_330 : vector<1x1x16xf32> to vector<16xf32>
        %add3A_332 = arith.addf %scan3A_266, %get3A_331 : vector<16xf32>
        %get3A_333 = arith.index_cast %rem3A_114 : i32 to index
        %get3A_334 = arith.index_cast %add3A_326 : i32 to index
        %get3A_335 = arith.constant 16 : index
        %get3A_336 = tpu.vector_load %arg6[%get3A_333, %get3A_334, %get3A_335] {strides = array<i32>} : memref<2x800x32xf32, #tpu.memory_space<vmem>>, vector<1x1x16xf32>,
        %get3A_337 = vector.shape_cast %get3A_336 : vector<1x1x16xf32> to vector<16xf32>
        %add3A_338 = arith.addf %scan3A_267, %get3A_337 : vector<16xf32>
        %mul3A_339 = arith.constant 8 : i32
        %mul3A_340 = arith.muli %scan3A_259, %mul3A_339 : i32
        %add3A_341 = arith.constant 600 : i32
        %add3A_342 = arith.addi %add3A_341, %mul3A_340 : i32
        %add3A_343 = arith.constant 4 : i32
        %add3A_344 = arith.addi %add3A_342, %add3A_343 : i32
        %get3A_345 = arith.index_cast %rem3A_114 : i32 to index
        %get3A_346 = arith.index_cast %add3A_344 : i32 to index
        %get3A_347 = arith.constant 0 : index
        %get3A_348 = tpu.vector_load %arg6[%get3A_345, %get3A_346, %get3A_347] {strides = array<i32>} : memref<2x800x32xf32, #tpu.memory_space<vmem>>, vector<1x1x16xf32>,
        %get3A_349 = vector.shape_cast %get3A_348 : vector<1x1x16xf32> to vector<16xf32>
        %add3A_350 = arith.addf %add3A_278, %get3A_349 : vector<16xf32>
        %get3A_351 = arith.index_cast %rem3A_114 : i32 to index
        %get3A_352 = arith.index_cast %add3A_344 : i32 to index
        %get3A_353 = arith.constant 16 : index
        %get3A_354 = tpu.vector_load %arg6[%get3A_351, %get3A_352, %get3A_353] {strides = array<i32>} : memref<2x800x32xf32, #tpu.memory_space<vmem>>, vector<1x1x16xf32>,
        %get3A_355 = vector.shape_cast %get3A_354 : vector<1x1x16xf32> to vector<16xf32>
        %add3A_356 = arith.addf %add3A_284, %get3A_355 : vector<16xf32>
        %mul3A_357 = arith.constant 8 : i32
        %mul3A_358 = arith.muli %scan3A_259, %mul3A_357 : i32
        %add3A_359 = arith.constant 600 : i32
        %add3A_360 = arith.addi %add3A_359, %mul3A_358 : i32
        %add3A_361 = arith.constant 5 : i32
        %add3A_362 = arith.addi %add3A_360, %add3A_361 : i32
        %get3A_363 = arith.index_cast %rem3A_114 : i32 to index
        %get3A_364 = arith.index_cast %add3A_362 : i32 to index
        %get3A_365 = arith.constant 0 : index
        %get3A_366 = tpu.vector_load %arg6[%get3A_363, %get3A_364, %get3A_365] {strides = array<i32>} : memref<2x800x32xf32, #tpu.memory_space<vmem>>, vector<1x1x16xf32>,
        %get3A_367 = vector.shape_cast %get3A_366 : vector<1x1x16xf32> to vector<16xf32>
        %add3A_368 = arith.addf %add3A_296, %get3A_367 : vector<16xf32>
        %get3A_369 = arith.index_cast %rem3A_114 : i32 to index
        %get3A_370 = arith.index_cast %add3A_362 : i32 to index
        %get3A_371 = arith.constant 16 : index
        %get3A_372 = tpu.vector_load %arg6[%get3A_369, %get3A_370, %get3A_371] {strides = array<i32>} : memref<2x800x32xf32, #tpu.memory_space<vmem>>, vector<1x1x16xf32>,
        %get3A_373 = vector.shape_cast %get3A_372 : vector<1x1x16xf32> to vector<16xf32>
        %add3A_374 = arith.addf %add3A_302, %get3A_373 : vector<16xf32>
        %mul3A_375 = arith.constant 8 : i32
        %mul3A_376 = arith.muli %scan3A_259, %mul3A_375 : i32
        %add3A_377 = arith.constant 600 : i32
        %add3A_378 = arith.addi %add3A_377, %mul3A_376 : i32
        %add3A_379 = arith.constant 6 : i32
        %add3A_380 = arith.addi %add3A_378, %add3A_379 : i32
        %get3A_381 = arith.index_cast %rem3A_114 : i32 to index
        %get3A_382 = arith.index_cast %add3A_380 : i32 to index
        %get3A_383 = arith.constant 0 : index
        %get3A_384 = tpu.vector_load %arg6[%get3A_381, %get3A_382, %get3A_383] {strides = array<i32>} : memref<2x800x32xf32, #tpu.memory_space<vmem>>, vector<1x1x16xf32>,
        %get3A_385 = vector.shape_cast %get3A_384 : vector<1x1x16xf32> to vector<16xf32>
        %add3A_386 = arith.addf %add3A_314, %get3A_385 : vector<16xf32>
        %get3A_387 = arith.index_cast %rem3A_114 : i32 to index
        %get3A_388 = arith.index_cast %add3A_380 : i32 to index
        %get3A_389 = arith.constant 16 : index
        %get3A_390 = tpu.vector_load %arg6[%get3A_387, %get3A_388, %get3A_389] {strides = array<i32>} : memref<2x800x32xf32, #tpu.memory_space<vmem>>, vector<1x1x16xf32>,
        %get3A_391 = vector.shape_cast %get3A_390 : vector<1x1x16xf32> to vector<16xf32>
        %add3A_392 = arith.addf %add3A_320, %get3A_391 : vector<16xf32>
        %mul3A_393 = arith.constant 8 : i32
        %mul3A_394 = arith.muli %scan3A_259, %mul3A_393 : i32
        %add3A_395 = arith.constant 600 : i32
        %add3A_396 = arith.addi %add3A_395, %mul3A_394 : i32
        %add3A_397 = arith.constant 7 : i32
        %add3A_398 = arith.addi %add3A_396, %add3A_397 : i32
        %get3A_399 = arith.index_cast %rem3A_114 : i32 to index
        %get3A_400 = arith.index_cast %add3A_398 : i32 to index
        %get3A_401 = arith.constant 0 : index
        %get3A_402 = tpu.vector_load %arg6[%get3A_399, %get3A_400, %get3A_401] {strides = array<i32>} : memref<2x800x32xf32, #tpu.memory_space<vmem>>, vector<1x1x16xf32>,
        %get3A_403 = vector.shape_cast %get3A_402 : vector<1x1x16xf32> to vector<16xf32>
        %add3A_404 = arith.addf %add3A_332, %get3A_403 : vector<16xf32>
        %get3A_405 = arith.index_cast %rem3A_114 : i32 to index
        %get3A_406 = arith.index_cast %add3A_398 : i32 to index
        %get3A_407 = arith.constant 16 : index
        %get3A_408 = tpu.vector_load %arg6[%get3A_405, %get3A_406, %get3A_407] {strides = array<i32>} : memref<2x800x32xf32, #tpu.memory_space<vmem>>, vector<1x1x16xf32>,
        %get3A_409 = vector.shape_cast %get3A_408 : vector<1x1x16xf32> to vector<16xf32>
        %add3A_410 = arith.addf %add3A_338, %get3A_409 : vector<16xf32>
        scf.yield %add3A_350, %add3A_356, %add3A_368, %add3A_374, %add3A_386, %add3A_392, %add3A_404, %add3A_410 : vector<16xf32>, vector<16xf32>, vector<16xf32>, vector<16xf32>, vector<16xf32>, vector<16xf32>, vector<16xf32>, vector<16xf32>
      }
      %scan3A_231 = arith.constant 25 : i32
      %add3A_232 = arith.addf %scan3A_230#0, %scan3A_230#2 : vector<16xf32>
      %add3A_233 = arith.addf %scan3A_230#4, %scan3A_230#6 : vector<16xf32>
      %add3A_234 = arith.addf %add3A_232, %add3A_233 : vector<16xf32>
      %add3A_235 = arith.addf %scan3A_230#1, %scan3A_230#3 : vector<16xf32>
      %add3A_236 = arith.addf %scan3A_230#5, %scan3A_230#7 : vector<16xf32>
      %add3A_237 = arith.addf %add3A_235, %add3A_236 : vector<16xf32>
      %mul3A_238 = arith.constant 5.000000e-03 : f32
      %mul3A_239 = vector.broadcast %mul3A_238 : f32 to vector<16xf32>
      %mul3A_240 = arith.mulf %add3A_234, %mul3A_239 : vector<16xf32>
      %swap3A_241 = arith.constant 3 : i32
      %swap3A_242 = arith.index_cast %swap3A_241 : i32 to index
      %swap3A_243 = arith.constant 0 : index
      %swap3A_244 = tpu.vector_load %arg7[%swap3A_242, %swap3A_243] {strides = array<i32>} : memref<4x32xf32, #tpu.memory_space<vmem>>, vector<1x16xf32>,
      %swap3A_245 = vector.shape_cast %swap3A_244 : vector<1x16xf32> to vector<16xf32>
      %swap3A_246 = vector.shape_cast %mul3A_240 : vector<16xf32> to vector<1x16xf32>
      tpu.vector_store %arg7[%swap3A_242, %swap3A_243], %swap3A_246 {strides = array<i32>} : memref<4x32xf32, #tpu.memory_space<vmem>>, vector<1x16xf32>,
      %mul3A_247 = arith.constant 5.000000e-03 : f32
      %mul3A_248 = vector.broadcast %mul3A_247 : f32 to vector<16xf32>
      %mul3A_249 = arith.mulf %add3A_237, %mul3A_248 : vector<16xf32>
      %swap3A_250 = arith.constant 3 : i32
      %swap3A_251 = arith.index_cast %swap3A_250 : i32 to index
      %swap3A_252 = arith.constant 16 : index
      %swap3A_253 = tpu.vector_load %arg7[%swap3A_251, %swap3A_252] {strides = array<i32>} : memref<4x32xf32, #tpu.memory_space<vmem>>, vector<1x16xf32>,
      %swap3A_254 = vector.shape_cast %swap3A_253 : vector<1x16xf32> to vector<16xf32>
      %swap3A_255 = vector.shape_cast %mul3A_249 : vector<16xf32> to vector<1x16xf32>
      tpu.vector_store %arg7[%swap3A_251, %swap3A_252], %swap3A_255 {strides = array<i32>} : memref<4x32xf32, #tpu.memory_space<vmem>>, vector<1x16xf32>,
      %mul3A_256 = arith.constant 4 : i32
      %mul3A_257 = arith.muli %scan3A_113, %mul3A_256 : i32
      %add3A_258 = arith.addi %mul3A_2, %mul3A_257 : i32
      "tpu.region"() ({
        %run_scoped3A_259 = tpu.sem_alloc : memref<!tpu.dma_semaphore, #tpu.memory_space<semaphore_mem>>
        %dma_start3A_260 = arith.constant 0 : i32
        %dma_start3A_261 = tpu.memref_slice %arg4[%add3A_258, %dma_start3A_260] : memref<16384x32xf32, #tpu.memory_space<hbm>> -> memref<4x32xf32, #tpu.memory_space<hbm>>
        %dma_start3A_262 = arith.constant 0 : i32
        %dma_start3A_263 = tpu.memref_slice %arg4[%add3A_258, %dma_start3A_262] : memref<16384x32xf32, #tpu.memory_space<hbm>> -> memref<4x32xf32, #tpu.memory_space<hbm>>
        tpu.enqueue_dma source(%arg7 : memref<4x32xf32, #tpu.memory_space<vmem>>) target(%dma_start3A_263 : memref<4x32xf32, #tpu.memory_space<hbm>>) target_semaphore(%run_scoped3A_259 : memref<!tpu.dma_semaphore, #tpu.memory_space<semaphore_mem>>)
        %dma_wait3A_264 = arith.constant 0 : i32
        %dma_wait3A_265 = tpu.memref_slice %arg4[%add3A_258, %dma_wait3A_264] : memref<16384x32xf32, #tpu.memory_space<hbm>> -> memref<4x32xf32, #tpu.memory_space<hbm>>
        %dma_wait3A_266 = arith.constant 0 : i32
        %dma_wait3A_267 = tpu.memref_slice %arg4[%add3A_258, %dma_wait3A_266] : memref<16384x32xf32, #tpu.memory_space<hbm>> -> memref<4x32xf32, #tpu.memory_space<hbm>>
        tpu.wait_dma2 semaphore(%run_scoped3A_259 : memref<!tpu.dma_semaphore, #tpu.memory_space<semaphore_mem>>) src(%arg7 : memref<4x32xf32, #tpu.memory_space<vmem>>) dst(%dma_wait3A_267 : memref<4x32xf32, #tpu.memory_space<hbm>>)
        tpu.yield
      }) : () -> ()
    }
    %scan3A_112 = arith.constant 128 : i32
    return
  }
}

module attributes {stable_mosaic.version = 14 : i64} {
  func.func @_mlp_body(%arg0: i32, %arg1: memref<2048x32xf32, #tpu.memory_space<vmem>>, %arg2: memref<32x64xf32, #tpu.memory_space<vmem>>, %arg3: memref<1x64xf32, #tpu.memory_space<vmem>>, %arg4: memref<64x2xf32, #tpu.memory_space<vmem>>, %arg5: memref<1x2xf32, #tpu.memory_space<vmem>>, %arg6: memref<2048x2xf32, #tpu.memory_space<vmem>>) attributes {dimension_semantics = [#tpu.dimension_semantics<arbitrary>], iteration_bounds = array<i64: 8>, scalar_prefetch = 0 : i64, scratch_operands = 0 : i64, tpu.core_type = #tpu.core_type<tc>, window_params = [{transform_indices = @transform_0, window_bounds = array<i64: 2048, 32>}, {pipeline_mode = #tpu.pipeline_mode<synchronous>, transform_indices = @transform_1, window_bounds = array<i64: 32, 64>}, {pipeline_mode = #tpu.pipeline_mode<synchronous>, transform_indices = @transform_2, window_bounds = array<i64: 1, 64>}, {pipeline_mode = #tpu.pipeline_mode<synchronous>, transform_indices = @transform_3, window_bounds = array<i64: 64, 2>}, {pipeline_mode = #tpu.pipeline_mode<synchronous>, transform_indices = @transform_4, window_bounds = array<i64: 1, 2>}, {transform_indices = @transform_5, window_bounds = array<i64: 2048, 2>}]} {
    %get3A = arith.constant 0 : index
    %get3A_0 = arith.constant 0 : index
    %get3A_1 = vector.load %arg1[%get3A, %get3A_0] : memref<2048x32xf32, #tpu.memory_space<vmem>>, vector<2048x32xf32>
    %get3A_2 = arith.constant 0 : index
    %get3A_3 = arith.constant 0 : index
    %get3A_4 = vector.load %arg2[%get3A_2, %get3A_3] : memref<32x64xf32, #tpu.memory_space<vmem>>, vector<32x64xf32>
    %dot_general3A = arith.constant dense<0.000000e+00> : vector<2048x64xf32>
    %dot_general3A_5 = tpu.matmul %get3A_1, %get3A_4, %dot_general3A {dimension_numbers = #tpu.dot_dimension_numbers<[1], [0], [0], [1], [0, 0, 1, 1], [], []>, transpose_lhs_hint = false} : vector<2048x32xf32>, vector<32x64xf32>, vector<2048x64xf32> -> vector<2048x64xf32>
    %get3A_6 = arith.constant 0 : index
    %get3A_7 = arith.constant 0 : index
    %get3A_8 = vector.load %arg3[%get3A_6, %get3A_7] : memref<1x64xf32, #tpu.memory_space<vmem>>, vector<1x64xf32>
    %add3A = vector.broadcast %get3A_8 : vector<1x64xf32> to vector<2048x64xf32>
    %add3A_9 = arith.addf %dot_general3A_5, %add3A : vector<2048x64xf32>
    %max3A = arith.constant 0.000000e+00 : f32
    %max3A_10 = vector.broadcast %max3A : f32 to vector<2048x64xf32>
    %max3A_11 = arith.maximumf %add3A_9, %max3A_10 : vector<2048x64xf32>
    %get3A_12 = arith.constant 0 : index
    %get3A_13 = arith.constant 0 : index
    %get3A_14 = vector.load %arg4[%get3A_12, %get3A_13] : memref<64x2xf32, #tpu.memory_space<vmem>>, vector<64x2xf32>
    %dot_general3A_15 = arith.constant dense<0.000000e+00> : vector<2048x2xf32>
    %dot_general3A_16 = tpu.matmul %max3A_11, %get3A_14, %dot_general3A_15 {dimension_numbers = #tpu.dot_dimension_numbers<[1], [0], [0], [1], [0, 0, 1, 1], [], []>, transpose_lhs_hint = false} : vector<2048x64xf32>, vector<64x2xf32>, vector<2048x2xf32> -> vector<2048x2xf32>
    %get3A_17 = arith.constant 0 : index
    %get3A_18 = arith.constant 0 : index
    %get3A_19 = vector.load %arg5[%get3A_17, %get3A_18] : memref<1x2xf32, #tpu.memory_space<vmem>>, vector<1x2xf32>
    %add3A_20 = vector.broadcast %get3A_19 : vector<1x2xf32> to vector<2048x2xf32>
    %add3A_21 = arith.addf %dot_general3A_16, %add3A_20 : vector<2048x2xf32>
    %swap3A = arith.constant 0 : index
    %swap3A_22 = arith.constant 0 : index
    %swap3A_23 = vector.load %arg6[%swap3A, %swap3A_22] : memref<2048x2xf32, #tpu.memory_space<vmem>>, vector<2048x2xf32>
    tpu.vector_store %arg6[%swap3A, %swap3A_22], %add3A_21 {strides = array<i32>} : memref<2048x2xf32, #tpu.memory_space<vmem>>, vector<2048x2xf32>,
    return
  }
  func.func @transform_0(%arg0: i32) -> (i32, i32) {
    %c0_i32 = arith.constant 0 : i32
    %c0_i32_0 = arith.constant 0 : i32
    return %arg0, %c0_i32 : i32, i32
  }
  func.func @transform_1(%arg0: i32) -> (i32, i32) {
    %c0_i32 = arith.constant 0 : i32
    %c0_i32_0 = arith.constant 0 : i32
    %c0_i32_1 = arith.constant 0 : i32
    return %c0_i32, %c0_i32_0 : i32, i32
  }
  func.func @transform_2(%arg0: i32) -> (i32, i32) {
    %c0_i32 = arith.constant 0 : i32
    %c0_i32_0 = arith.constant 0 : i32
    %c0_i32_1 = arith.constant 0 : i32
    return %c0_i32, %c0_i32_0 : i32, i32
  }
  func.func @transform_3(%arg0: i32) -> (i32, i32) {
    %c0_i32 = arith.constant 0 : i32
    %c0_i32_0 = arith.constant 0 : i32
    %c0_i32_1 = arith.constant 0 : i32
    return %c0_i32, %c0_i32_0 : i32, i32
  }
  func.func @transform_4(%arg0: i32) -> (i32, i32) {
    %c0_i32 = arith.constant 0 : i32
    %c0_i32_0 = arith.constant 0 : i32
    %c0_i32_1 = arith.constant 0 : i32
    return %c0_i32, %c0_i32_0 : i32, i32
  }
  func.func @transform_5(%arg0: i32) -> (i32, i32) {
    %c0_i32 = arith.constant 0 : i32
    %c0_i32_0 = arith.constant 0 : i32
    return %arg0, %c0_i32 : i32, i32
  }
}

</mosaic_0001>

<sc_bundles>
// kernel: kernel.4.cloned.1.call-start
scs
__scs_entry_jumppad:
0x0: {  	(pc) =	sbr.rel $0x88, $3  }
0x1: {  	(tag) =	ssettag $0x0;
	lr =	simm.s32 $0x1  }
0x2: {  	[smem:$0x3F9B] =	sst lr;
	_ =	strace $0xD0000000  }
0x3: {  	_ = 	snop  }
0x4: {  	_ = 	snop  }
0x5: {  	_ = 	snop  }
0x6: {  	_ = 	snop  }
0x7: {  	_ = 	snop  }
__scs_overlays_trampoline_lowered:
0x8: {  	[smem:$0x3FAA] =	sst s0  }
0x9: {  	[smem:$0x3FAB] =	sst s1  }
0xa: {  	[smem:$0x3FAC] =	sst s2  }
0xb: {  	[smem:$0x3FAD] =	sst s3  }
0xc: {  	[smem:$0x3FAE] =	sst s4  }
0xd: {  	[smem:$0x3FAF] =	sst s5  }
0xe: {  	[smem:$0x3FB0] =	sst s6  }
0xf: {  	[smem:$0x3FB1] =	sst s7  }
0x10: {  	[smem:$0x3FB2] =	sst s8  }
0x11: {  	[smem:$0x3FB3] =	sst s9;
	s0 =	simm.s32 @!p0 $0x0  }
0x12: {  	s1 =	sld [smem:$0x3F99];
	s0 =	simm.s32 @p0 $0x1  }
0x13: {  	[smem:$0x3FB4] =	sst s0;
	s0 =	simm.s32 @!p1 $0x0  }
0x14: {  	s2 =	sld [smem:$0x3F98];
	s0 =	simm.s32 @p1 $0x1  }
0x15: {  	[smem:$0x3FB5] =	sst s0;
	s0 =	simm.s32 @!p2 $0x0  }
0x16: {  	s3 =	sld [smem:$0x3FDB];
	s0 =	simm.s32 @p2 $0x1  }
0x17: {  	s4 =	simm.s32 $0x1BF5;
	[smem:$0x3FB7] =	sst s0  }
0x18: {  	s0 =	sld [smem:$0x3F9A];
	_ =	swait.ge [sflag:s4], $0x0  }
0x19: {  	s7 =	sld [smem:$0x3F9B]  }
0x1a: {  	s8 =	sadd.s32 $0xFFFFE003, lr  }
0x1b: {  	s9 =	sadd.s32 $0xFFFFFEF7, lr;
	s5 =	simm.s32 $0xFFFFFFFF;
	p2 =	slt.u32 s8, $0xFFFFF086  }
0x1c: {  	p1 =	slt.u32 s9, $0xF7A;
	s5 =	simm.s32 @!p2 $0x0  }
0x1d: {  	s5 =	simm.s32 @p1 $0x1;
	p0 =	seq.s32 s7, s2  }
0x1e: {  	s7 =	smul.u32 @!p0 $0xF7A, s2;
	p2 =	seq.s32 @!p0 s5, $0x0  }
0x1f: {  	s9 =	smul.u32 $0xF7A, s1;
	s8 =	simm.s32 @!p0 $0x1BF5;
	p2 =	por !p2, p0  }
0x20: {  	[sflag:s8] =	ssyncset.s32 @!p0 $0xFFFFF086;
	s6 =	sadd.s32 @!p0 s3, s7;
	s7 =	simm.s32 @!p0 $0x108  }
0x21: {  	s3 =	sadd.s32 s3, s9;
	s6 =	sadd.s32 @!p0 $0x88, s6;
	s7 =	simm.s32 @p2 $0x1082  }
0x22: {  	[simem:s7], [sflag:s8] =	dma.local @!p0 [hbm:s6], $0xF7A  }
0x23: {  	s9 =	sor.u32 $0xD0000000, s2;
	s6 =	simm.s32 $0x108;
	_ =	swait.ge @!p0 [sflag:s8], $0x0  }
0x24: {  	s3 =	sadd.s32 $0x88, s3;
	s6 =	simm.s32 @!p1 $0x1082;
	[sflag:s4] =	ssyncset.s32 $0xFFFFF086  }
0x25: {  	[simem:s6], [sflag:s4] =	dma.local [hbm:s3], $0xF7A  }
0x26: {  	[smem:$0x3F9B] =	sst s1;
	(tag) =	ssettag s2;
	_ =	strace s9  }
0x27: {  	s1 =	sld [smem:$0x3FAB]  }
0x28: {  	s2 =	sld [smem:$0x3FAC]  }
0x29: {  	s4 =	sld [smem:$0x3FAE]  }
0x2a: {  	p0 =	seq.s32 s5, $0x0;
	s5 =	sld [smem:$0x3FAF]  }
0x2b: {  	s6 =	sld [smem:$0x3FB0]  }
0x2c: {  	s7 =	sld [smem:$0x3FB1]  }
0x2d: {  	s3 =	simm.s32 $0x108;
	s8 =	sld [smem:$0x3FB2]  }
0x2e: {  	s3 =	simm.s32 @!p0 $0x1082;
	s9 =	sld [smem:$0x3FB3]  }
0x2f: {  	lr =	sadd.s32 s0, s3;
	s0 =	sld [smem:$0x3FAA]  }
0x30: {  	s3 =	sld [smem:$0x3FAD]  }
0x31: {  	[smem:$0x3FB6] =	sst s10  }
0x32: {  	s10 =	sld [smem:$0x3FB4];
	_ =	sdelay $0x3  }
0x33: {  	p0 =	seq.s32 s10, $0x1;
	s10 =	sld [smem:$0x3FB6];
	_ =	sdelay $0x3  }
0x34: {  	[smem:$0x3FB6] =	sst s10  }
0x35: {  	s10 =	sld [smem:$0x3FB5];
	_ =	sdelay $0x3  }
0x36: {  	p1 =	seq.s32 s10, $0x1;
	s10 =	sld [smem:$0x3FB6];
	_ =	sdelay $0x3  }
0x37: {  	[smem:$0x3FB6] =	sst s10  }
0x38: {  	s10 =	sld [smem:$0x3FB7]  }
0x39: {  	_ = 	snop;
	(pc) =	sbr.ind lr, $3  }
0x3a: {  	_ = 	snop  }
0x3b: {  	_ = 	snop  }
0x3c: {  	p2 =	seq.s32 s10, $0x1;
	s10 =	sld [smem:$0x3FB6]  }
0x3d: {  	_ =	shalt  }
0x3e: {  	_ =	shalt  }
0x3f: {  	_ =	shalt  }
0x40: {  	_ =	shalt  }
0x41: {  	_ =	shalt  }
0x42: {  	_ =	shalt  }
0x43: {  	_ =	shalt  }
0x44: {  	_ =	shalt  }
0x45: {  	_ =	shalt  }
0x46: {  	_ =	shalt  }
0x47: {  	_ =	shalt  }
0x48: {  	_ =	shalt  }
0x49: {  	_ =	shalt  }
0x4a: {  	_ =	shalt  }
0x4b: {  	_ =	shalt  }
0x4c: {  	_ =	shalt  }
0x4d: {  	_ =	shalt  }
0x4e: {  	_ =	shalt  }
0x4f: {  	_ =	shalt  }
0x50: {  	_ =	shalt  }
0x51: {  	_ =	shalt  }
0x52: {  	_ =	shalt  }
0x53: {  	_ =	shalt  }
0x54: {  	_ =	shalt  }
0x55: {  	_ =	shalt  }
0x56: {  	_ =	shalt  }
0x57: {  	_ =	shalt  }
0x58: {  	_ =	shalt  }
0x59: {  	_ =	shalt  }
0x5a: {  	_ =	shalt  }
0x5b: {  	_ =	shalt  }
0x5c: {  	_ =	shalt  }
0x5d: {  	_ =	shalt  }
0x5e: {  	_ =	shalt  }
0x5f: {  	_ =	shalt  }
0x60: {  	_ =	shalt  }
0x61: {  	_ =	shalt  }
0x62: {  	_ =	shalt  }
0x63: {  	_ =	shalt  }
0x64: {  	_ =	shalt  }
0x65: {  	_ =	shalt  }
0x66: {  	_ =	shalt  }
0x67: {  	_ =	shalt  }
0x68: {  	_ =	shalt  }
0x69: {  	_ =	shalt  }
0x6a: {  	_ =	shalt  }
0x6b: {  	_ =	shalt  }
0x6c: {  	_ =	shalt  }
0x6d: {  	_ =	shalt  }
0x6e: {  	_ =	shalt  }
0x6f: {  	_ =	shalt  }
0x70: {  	_ =	shalt  }
0x71: {  	_ =	shalt  }
0x72: {  	_ =	shalt  }
0x73: {  	_ =	shalt  }
0x74: {  	_ =	shalt  }
0x75: {  	_ =	shalt  }
0x76: {  	_ =	shalt  }
0x77: {  	_ =	shalt  }
0x78: {  	_ =	shalt  }
0x79: {  	_ =	shalt  }
0x7a: {  	_ =	shalt  }
0x7b: {  	_ =	shalt  }
0x7c: {  	_ =	shalt  }
0x7d: {  	_ =	shalt  }
0x7e: {  	_ =	shalt  }
0x7f: {  	_ =	shalt  }
0x80: {  	_ =	shalt  }
0x81: {  	_ =	shalt  }
0x82: {  	_ =	shalt  }
0x83: {  	_ =	shalt  }
0x84: {  	_ =	shalt  }
0x85: {  	_ =	shalt  }
0x86: {  	_ =	shalt  }
0x87: {  	_ =	shalt  }
.Lfunc_end0:
.L_simem_size_0:
called_computation_lowered:
.L_overlay_start_0:
0x88: {  	s2 =	sld [smem:$0x3FD9]  }
0x89: {  	s3 =	sld [smem:$0x3FFE];
	_ =	sdelay $0x1  }
0x8a: {  	s1 =	srdreg.scid  }
0x8b: {  	s0 =	sand.u32 $0x1, s1  }
0x8c: {  	s16 =	sshll.u32 s0, $0xA;
	s2 =	sadd.s32 s3, s2  }
0x8d: {  	s2 =	sadd.s32 s2, s16  }
0x8e: {  	[smem:$0x3FC2] =	sst s2  }
0x8f: {  	_ = 	snop  }
0x90: {  	(tm) =	ssettm $0x1  }
0x91: {  	s17 =	sld [smem:$0x3FFB];
	_ =	sdelay $0x3  }
0x92: {  	_ =	strace s17  }
0x93: {  	s2 =	sld [smem:$0x3FFC];
	_ =	sdelay $0x3  }
0x94: {  	_ =	strace s2  }
0x95: {  	s2 =	sld [smem:$0x3FFD];
	_ =	sdelay $0x3  }
0x96: {  	_ =	strace s2  }
0x97: {  	_ =	strace $0x8FFFFFFF  }
0x98: {  	s18 =	sld [smem:$0x3FDB];
	_ =	sdelay $0x1  }
0x99: {  	s19 =	simm.s32 $_scs_section_size  }
0x9a: {  	s4 =	simm.s32 $_size__tile_overlayer_lowered;
	s5 =	simm.s32 $_tile_overlayer_lowered  }
0x9b: {  	s22 =	simm.s32 $0x1BFF;
	s21 =	sshll.u32 s5, $0x1;
	s2 =	sadd.s32 s19, s18  }
0x9c: {  	s6 =	simm.s32 $0x0;
	s20 =	sshll.u32 s4, $0x1;
	s4 =	sadd.s32 s21, s2  }
0x9d: {  	[timem:s6], [sflag:s22] =	dma.local [hbm:s4], s20  }
0x9e: {  	_ =	swait.ge [sflag:s22], s20  }
0x9f: {  	s3 =	ssub.s32 $0x0, s20;
	[sflag:s22] =	ssyncset.done $0x0  }
0xa0: {  	[sflag:s22] =	ssyncadd.s32 s3;
	_ =	sdelay $0x1  }
0xa1: {  	s23 =	simm.s32 $0x1B8B  }
0xa2: {  	_ =	swait.ge [sflag:s23], $0x1  }
0xa3: {  	[sflag:s23] =	ssyncset.done $0x0  }
0xa4: {  	s25 =	simm.s32 $0x1B8E;
	s24 =	sld [smem:$0x3FFE];
	[sflag:s23] =	ssyncadd.s32 $0xFFFFFFFF  }
0xa5: {  	s26 =	simm.s32 $execute0_lowered;
	[smem:$0x3FD2] =	sst s25  }
0xa6: {  	s4 =	sshll.u32 s26, $0x1;
	_ =	strace $0x80000046;
	[dreg:$0x1] =	wrdreg $0xFFFFFFFF  }
0xa7: {  	s28 =	simm.s32 $_size_execute0_lowered;
	s2 =	sadd.s32 s2, s4;
	[dreg:$0x0] =	wrdreg $0x0  }
0xa8: {  	s4 =	sshll.u32 s28, $0x1;
	[dreg:$0x2] =	wrdreg s2  }
0xa9: {  	[dreg:$0x3] =	wrdreg s4  }
0xaa: {  	[dreg:$0x4] =	wrdreg $0xC0  }
0xab: {  	_ =	task [dreg:s6], $0x5FFFF  }
0xac: {  	[dreg:$0x1] =	wrdreg $0xFFFFFFFF  }
0xad: {  	[dreg:$0x0] =	wrdreg $0x60  }
0xae: {  	[dreg:$0x2] =	wrdreg s24  }
0xaf: {  	[dreg:$0x3] =	wrdreg $0x9  }
0xb0: {  	_ =	task.clear_ibuf [dreg:s6], $0x4FFFF;
	_ =	strace $0x90000046  }
0xb1: {  	s29 =	simm.s32 $0x9;
	_ =	strace $0x80000048  }
0xb2: {  	_ =	swait.ge [sflag:s29], $0x1  }
0xb3: {  	[sflag:s29] =	ssyncadd.s32 $0xFFFFFFFF  }
0xb4: {  	_ =	strace $0x90000048  }
0xb5: {  	_ =	sfence  }
0xb6: {  	s30 =	sld [smem:$0x0];
	_ =	sdelay $0x2  }
0xb7: {  	s31 =	sshll.u32 s1, $0xD;
	s1 =	sshrl.u32 s1, $0x2  }
0xb8: {  	s3 =	sand.u32 $0x4000, s31;
	s1 =	sadd.s32 s1, s30  }
0xb9: {  	s0 =	sor.u32 s3, s0;
	s1 =	sshll.u32 s1, $0x11  }
0xba: {  	s0 =	sor.u32 s1, s0  }
0xbb: {  	s0 =	sadd.s32 $0x8F2B, s0  }
0xbc: {  	[sflag:s0] =	ssyncadd.remote.s32 $0x1  }
0xbd: {  	_ =	sfence.sel $0xFFFF  }
0xbe: {  	[dreg:$0x0] =	wrdreg $0xFFFFFFFF;
	(pc) =	sbr.abs _section_cstart, $3  }
0xbf: {  	[dreg:$0x1] =	wrdreg $0xFFFFFFFF  }
0xc0: {  	_ =	task.clear_ibuf [dreg:s6], $0x2FFFF;
	_ =	strace $0x9FFFFFFF  }
0xc1: {  	(tm) =	ssettm $0x7FFFFFFF  }
tec
execute0_lowered:
.L_overlay_start_1:
0x0: {  	(tag) =	ssettag $0x1  }
0x1: {  	s0 =	rddreg [dreg:$0x0];
	s1 =	srdreg.scid  }
0x2: {  	s2 =	simm.s32 $0x0;
	s3 =	stileid.u32;
	s9 =	simm.s32 $0x2  }
0x3: {  	s10 =	simm.s32 $0x80;
	s12 =	simm.s32 $0x48;
	s15 =	simm.s32 $0x1F40  }
0x4: {  	s16 =	simm.s32 $0x148;
	s17 =	simm.s32 $0x2F40;
	s18 =	simm.s32 $0x190  }
0x5: {  	s19 =	simm.s32 $0x3840;
	s20 =	simm.s32 $0x210;
	s21 =	simm.s32 $0x4840  }
0x6: {  	s22 =	simm.s32 $0x258;
	s23 =	simm.s32 $0x5140;
	s24 =	simm.s32 $0x2D8  }
0x7: {  	s25 =	simm.s32 $0x6140;
	s26 =	simm.s32 $0x1;
	s28 =	simm.s32 $0xCE40  }
0x8: {  	s29 =	simm.s32 $0x0;
	s1 =	sand.u32 $0x1, s1;
	[smem:$0x7FF] =	sst s2  }
0x9: {  	s4 =	sshll.u32 s3, $0xA;
	s3 =	sadd.s32 $0xE00, s0;
	s5 =	sshll.u32 s1, $0x9  }
0xa: {  	_ =	strace $0x80000047;
	s1 =	ssub.s32 $0x2, s1;
	s4 =	sor.u32 s5, s4  }
0xb: {  	s31 =	sshrl.u32 s1, $0x1;
	s6 =	sshll.u32 s4, $0x2;
	s7 =	smul.u32 $0x19, s4  }
0xc: {  	s5 =	sadd.s32 $0xF43200, s0;
	s1 =	ssub.s32 s1, s31;
	s0 =	sadd.s32 s6, s0  }
0xd: {  	s8 =	smax.u32 s1, $0x1;
	s6 =	sadd.s32 s3, s7;
	s7 =	sadd.s32 $0x64E00, s0  }
.LBB2_1:
0xe: {  	[tilespmem:s2], [sflag:$0x2] =	stream.linear.gather [hbm4b:s6+s2], $0x320, $0x38;
	[tilespmem:$0xCEC0] =	vst v63  }
0xf: {  	_ =	swait.ge [sflag:s9], $0x320  }
0x10: {  	[sflag:s9] =	ssyncset.done $0x0  }
0x11: {  	s0 =	simm.s32 $0x640;
	[sflag:s9] =	ssyncadd.s32 $0xFFFFFCE0  }
0x12: {  	[tilespmem:s0], [sflag:$0x1] =	stream.indirect.gather [hbm4b:s5+s10], $0x20, s2, s10, $0xb8;
	[tilespmem:$0xCEC0] =	vst v63  }
0x13: {  	s14 =	simm.s32 $0x1640  }
0x14: {  	[tilespmem:s14], [sflag:$0x1] =	stream.indirect.gather [hbm4b:s5+s12], $0x20, s10, s12, $0xb8;
	[tilespmem:$0xCEC0] =	vst v63  }
0x15: {  	s31 =	simm.s32 $0xC8  }
0x16: {  	[tilespmem:s15], [sflag:$0x1] =	stream.indirect.gather [hbm4b:s5+s10], $0x20, s31, s10, $0xb8;
	[tilespmem:$0xCEC0] =	vst v63  }
0x17: {  	_ = 	snop  }
0x18: {  	[tilespmem:s17], [sflag:$0x1] =	stream.indirect.gather [hbm4b:s5+s12], $0x20, s16, s12, $0xb8;
	[tilespmem:$0xCEC0] =	vst v63  }
0x19: {  	_ = 	snop  }
0x1a: {  	[tilespmem:s19], [sflag:$0x1] =	stream.indirect.gather [hbm4b:s5+s10], $0x20, s18, s10, $0xb8;
	[tilespmem:$0xCEC0] =	vst v63  }
0x1b: {  	_ = 	snop  }
0x1c: {  	[tilespmem:s21], [sflag:$0x1] =	stream.indirect.gather [hbm4b:s5+s12], $0x20, s20, s12, $0xb8;
	[tilespmem:$0xCEC0] =	vst v63  }
0x1d: {  	_ = 	snop  }
0x1e: {  	[tilespmem:s23], [sflag:$0x1] =	stream.indirect.gather [hbm4b:s5+s10], $0x20, s22, s10, $0xb8;
	[tilespmem:$0xCEC0] =	vst v63  }
0x1f: {  	s30 =	simm.s32 $0x0  }
0x20: {  	[tilespmem:s25], [sflag:$0x1] =	stream.indirect.gather [hbm4b:s5+s12], $0x20, s24, s12, $0xb8;
	[tilespmem:$0xCEC0] =	vst v63  }
.LBB2_2:
0x21: {  	p0 =	seq.s32 s30, $0x7F  }
0x22: {  	s0 =	sadd.s32 @!p0 $0x1, s30  }
0x23: {  	s1 =	sshll.u32 @!p0 s0, $0x2;
	s0 =	sand.u32 @!p0 $0x1, s0  }
0x24: {  	s1 =	sadd.s32 @!p0 s4, s1;
	s11 =	smul.u32 @!p0 $0xC80, s0  }
0x25: {  	s1 =	smul.u32 @!p0 $0x19, s1;
	_ =	sdelay $0x1  }
0x26: {  	s31 =	simm.s32 @!p0 $0x0;
	s11 =	sshrl.u32 @!p0 s11, $0x2;
	s1 =	sadd.s32 @!p0 s3, s1  }
0x27: {  	[tilespmem:s11], [sflag:$0x2] =	stream.linear.gather @!p0 [hbm4b:s1+s31], $0x320, $0x38;
	[tilespmem:$0xCEC0] =	vst v63  }
0x28: {  	s0 =	smul.u32 @!p0 $0x19000, s0;
	s1 =	simm.s32 @!p0 $0x2  }
0x29: {  	_ =	swait.ge @!p0 [sflag:s1], $0x320  }
0x2a: {  	s31 =	sshrl.u32 @!p0 s0, $0x2;
	[sflag:s1] =	ssyncset.done @!p0 $0x0  }
0x2b: {  	s0 =	sadd.s32 @!p0 $0x640, s31;
	[sflag:s1] =	ssyncadd.s32 @!p0 $0xFFFFFCE0;
	s1 =	simm.s32 @!p0 $0x80  }
0x2c: {  	[tilespmem:s0], [sflag:$0x1] =	stream.indirect.gather @!p0 [hbm4b:s5+s1], $0x20, s11, s1, $0xb8;
	[tilespmem:$0xCEC0] =	vst v63  }
0x2d: {  	s14 =	simm.s32 @!p0 $0x48;
	s13 =	sadd.s32 @!p0 $0x80, s11;
	s0 =	sadd.s32 @!p0 $0x1640, s31  }
0x2e: {  	[tilespmem:s0], [sflag:$0x1] =	stream.indirect.gather @!p0 [hbm4b:s5+s14], $0x20, s13, s14, $0xb8;
	[tilespmem:$0xCEC0] =	vst v63  }
0x2f: {  	s0 =	sadd.s32 @!p0 $0x1F40, s31;
	s13 =	sadd.s32 @!p0 $0xC8, s11  }
0x30: {  	[tilespmem:s0], [sflag:$0x1] =	stream.indirect.gather @!p0 [hbm4b:s5+s1], $0x20, s13, s1, $0xb8;
	[tilespmem:$0xCEC0] =	vst v63  }
0x31: {  	s0 =	sadd.s32 @!p0 $0x2F40, s31;
	s13 =	sadd.s32 @!p0 $0x148, s11  }
0x32: {  	[tilespmem:s0], [sflag:$0x1] =	stream.indirect.gather @!p0 [hbm4b:s5+s14], $0x20, s13, s14, $0xb8;
	[tilespmem:$0xCEC0] =	vst v63  }
0x33: {  	s0 =	sadd.s32 @!p0 $0x3840, s31;
	s13 =	sadd.s32 @!p0 $0x190, s11  }
0x34: {  	[tilespmem:s0], [sflag:$0x1] =	stream.indirect.gather @!p0 [hbm4b:s5+s1], $0x20, s13, s1, $0xb8;
	[tilespmem:$0xCEC0] =	vst v63  }
0x35: {  	s0 =	sadd.s32 @!p0 $0x4840, s31;
	s13 =	sadd.s32 @!p0 $0x210, s11  }
0x36: {  	[tilespmem:s0], [sflag:$0x1] =	stream.indirect.gather @!p0 [hbm4b:s5+s14], $0x20, s13, s14, $0xb8;
	[tilespmem:$0xCEC0] =	vst v63  }
0x37: {  	s0 =	sadd.s32 @!p0 $0x5140, s31;
	s13 =	sadd.s32 @!p0 $0x258, s11  }
0x38: {  	[tilespmem:s0], [sflag:$0x1] =	stream.indirect.gather @!p0 [hbm4b:s5+s1], $0x20, s13, s1, $0xb8;
	[tilespmem:$0xCEC0] =	vst v63  }
0x39: {  	s13 =	sand.u32 $0x1, s30  }
0x3a: {  	s0 =	simm.s32 $0x6400;
	p1 =	seq.s32 s13, $0x1  }
0x3b: {  	s0 =	simm.s32 @!p1 $0x0  }
0x3c: {  	s1 =	sadd.s32 $0x6C0, s0  }
0x3d: {  	s11 =	sadd.s32 @!p0 $0x2D8, s11;
	s13 =	sadd.s32 @!p0 $0x6140, s31;
	v0 =	vmov s1  }
0x3e: {  	[tilespmem:s13], [sflag:$0x1] =	stream.indirect.gather @!p0 [hbm4b:s5+s14], $0x20, s11, s14, $0xb8;
	[tilespmem:$0xCEC0] =	vst v63  }
0x3f: {  	_ =	swait.ge [sflag:s26], $0x6400  }
0x40: {  	[sflag:s26] =	ssyncset.done $0x0  }
0x41: {  	s1 =	simm.s32 $0x0;
	[sflag:s26] =	ssyncadd.s32 $0xFFFF9C00  }
0x42: {  	v3 =	vld.idx.msk [tilespmem:v0+s1+$0x0 ss:$0x1], $0xffff  }
0x43: {  	v4 =	vld.idx.msk [tilespmem:v0+s1+$0x10 ss:$0x1], $0xffff  }
0x44: {  	v5 =	vld.idx.msk [tilespmem:v0+s1+$0x20 ss:$0x1], $0xffff  }
0x45: {  	v6 =	vld.idx.msk [tilespmem:v0+s1+$0x30 ss:$0x1], $0xffff  }
0x46: {  	v1 =	vld.idx.msk [tilespmem:v0+s1+$0x40 ss:$0x1], $0xffff  }
0x47: {  	v2 =	vld.idx.msk [tilespmem:v0+s1+$0x50 ss:$0x1], $0xffff  }
0x48: {  	v19 =	vld.idx.msk [tilespmem:v0+s1+$0xFFFFFF80 ss:$0x1], $0xffff  }
0x49: {  	v21 =	vld.idx.msk [tilespmem:v0+s1+$0xFFFFFF90 ss:$0x1], $0xffff  }
0x4a: {  	v18 =	vld.idx.msk [tilespmem:v0+s1+$0xFFFFFFA0 ss:$0x1], $0xffff  }
0x4b: {  	v20 =	vld.idx.msk [tilespmem:v0+s1+$0xFFFFFFB0 ss:$0x1], $0xffff  }
0x4c: {  	v11 =	vimm.f32 $0.0e+00;
	v12 =	vimm.f32 $0.0e+00;
	v15 =	vld.idx.msk [tilespmem:v0+s1+$0xFFFFFFC0 ss:$0x1], $0xffff  }
0x4d: {  	v13 =	vimm.f32 $0.0e+00;
	v14 =	vimm.f32 $0.0e+00;
	v7 =	vimm.f32 $0.0e+00;
	v16 =	vld.idx.msk [tilespmem:v0+s1+$0xFFFFFFD0 ss:$0x1], $0xffff  }
0x4e: {  	v8 =	vimm.f32 $0.0e+00;
	v10 =	vimm.f32 $0.0e+00;
	v9 =	vimm.f32 $0.0e+00;
	s11 =	simm.s32 $0x400;
	s31 =	sadd.s32 $0x640, s0;
	v17 =	vld.idx.msk [tilespmem:v0+s1+$0xFFFFFFE0 ss:$0x1], $0xffff  }
.LBB2_3:
0x4f: {  	p0 =	sne.s32 s11, $0x6000;
	v22 =	vld.idx.msk [tilespmem:v0+s1+$0xFFFFFFF0 ss:$0x1], $0xffff  }
0x50: {  	v11 =	vadd.f32 v19, v11;
	v12 =	vadd.f32 v21, v12;
	v19 =	vld.idx.msk [tilespmem:v0+s1+$0x60 ss:$0x1], $0xffff  }
0x51: {  	v13 =	vadd.f32 v18, v13;
	v14 =	vadd.f32 v20, v14;
	v18 =	vld.idx.msk [tilespmem:v0+s1+$0x70 ss:$0x1], $0xffff;
	s1 =	sshra.s32 s11, $0x2  }
0x52: {  	v11 =	vadd.f32 v3, v11;
	v12 =	vadd.f32 v4, v12;
	v3 =	vld.idx.msk [tilespmem:v0+s1+$0x0 ss:$0x1], $0xffff  }
0x53: {  	v13 =	vadd.f32 v5, v13;
	v14 =	vadd.f32 v6, v14;
	v4 =	vld.idx.msk [tilespmem:v0+s1+$0x10 ss:$0x1], $0xffff  }
0x54: {  	v7 =	vadd.f32 v15, v7;
	v8 =	vadd.f32 v16, v8;
	v5 =	vld.idx.msk [tilespmem:v0+s1+$0x20 ss:$0x1], $0xffff  }
0x55: {  	v10 =	vadd.f32 v17, v10;
	v9 =	vadd.f32 v22, v9;
	v6 =	vld.idx.msk [tilespmem:v0+s1+$0x30 ss:$0x1], $0xffff  }
0x56: {  	v7 =	vadd.f32 v1, v7;
	v8 =	vadd.f32 v2, v8;
	v1 =	vld.idx.msk [tilespmem:v0+s1+$0x40 ss:$0x1], $0xffff  }
0x57: {  	v10 =	vadd.f32 v19, v10;
	v9 =	vadd.f32 v18, v9;
	v2 =	vld.idx.msk [tilespmem:v0+s1+$0x50 ss:$0x1], $0xffff  }
0x58: {  	v19 =	vld.idx.msk [tilespmem:v0+s1+$0xFFFFFF80 ss:$0x1], $0xffff  }
0x59: {  	v21 =	vld.idx.msk [tilespmem:v0+s1+$0xFFFFFF90 ss:$0x1], $0xffff  }
.Ltmp0:
0x5a: {  	v18 =	vld.idx.msk [tilespmem:v0+s1+$0xFFFFFFA0 ss:$0x1], $0xffff;
	(pc) =	sbr.rel @p0 .LBB2_3-.Ltmp0, $4  }
0x5b: {  	v20 =	vld.idx.msk [tilespmem:v0+s1+$0xFFFFFFB0 ss:$0x1], $0xffff  }
0x5c: {  	v15 =	vld.idx.msk [tilespmem:v0+s1+$0xFFFFFFC0 ss:$0x1], $0xffff  }
0x5d: {  	v16 =	vld.idx.msk [tilespmem:v0+s1+$0xFFFFFFD0 ss:$0x1], $0xffff  }
0x5e: {  	s11 =	sadd.s32 $0x400, s11;
	v17 =	vld.idx.msk [tilespmem:v0+s1+$0xFFFFFFE0 ss:$0x1], $0xffff  }
0x5f: {  	_ =	sdelay $0x3  }
0x60: {  	v22 =	vld.idx.msk [tilespmem:v0+s1+$0xFFFFFFF0 ss:$0x1], $0xffff;
	v11 =	vadd.f32 v19, v11;
	v12 =	vadd.f32 v21, v12  }
0x61: {  	v19 =	vld.idx.msk [tilespmem:v0+s1+$0x60 ss:$0x1], $0xffff;
	v13 =	vadd.f32 v18, v13;
	v14 =	vadd.f32 v20, v14  }
0x62: {  	v0 =	vld.idx.msk [tilespmem:v0+s1+$0x70 ss:$0x1], $0xffff;
	v3 =	vadd.f32 v3, v11;
	v4 =	vadd.f32 v4, v12  }
0x63: {  	v5 =	vadd.f32 v5, v13;
	v7 =	vadd.f32 v15, v7  }
0x64: {  	v6 =	vadd.f32 v6, v14;
	v10 =	vadd.f32 v17, v10  }
0x65: {  	v8 =	vadd.f32 v16, v8;
	v9 =	vadd.f32 v22, v9  }
0x66: {  	v1 =	vadd.f32 v1, v7;
	v7 =	vadd.f32 v19, v10  }
0x67: {  	v2 =	vadd.f32 v2, v8;
	v0 =	vadd.f32 v0, v9  }
0x68: {  	v3 =	vadd.f32 v5, v3;
	v1 =	vadd.f32 v7, v1  }
0x69: {  	v4 =	vadd.f32 v6, v4;
	v0 =	vadd.f32 v0, v2  }
0x6a: {  	s14 =	sadd.s32 $0x2030, s0;
	v1 =	vadd.f32 v1, v3  }
0x6b: {  	v2 =	vadd.f32 v0, v4;
	v0 =	vmov s14  }
0x6c: {  	v1 =	vmul.f32 $4.999999890e-03, v1  }
0x6d: {  	v2 =	vmul.f32 $4.999999890e-03, v2  }
0x6e: {  	[tilespmem:$0xCE40] =	vst v1  }
0x6f: {  	s1 =	simm.s32 $0x0;
	[tilespmem:$0xCE50] =	vst v2  }
0x70: {  	v3 =	vld.idx.msk [tilespmem:v0+s1+$0xFFFFFF90 ss:$0x1], $0xffff  }
0x71: {  	v4 =	vld.idx.msk [tilespmem:v0+s1+$0xFFFFFFA0 ss:$0x1], $0xffff  }
0x72: {  	v5 =	vld.idx.msk [tilespmem:v0+s1+$0xFFFFFFB0 ss:$0x1], $0xffff  }
0x73: {  	v6 =	vld.idx.msk [tilespmem:v0+s1+$0xFFFFFFC0 ss:$0x1], $0xffff  }
0x74: {  	v1 =	vld.idx.msk [tilespmem:v0+s1+$0xFFFFFFD0 ss:$0x1], $0xffff  }
0x75: {  	v2 =	vld.idx.msk [tilespmem:v0+s1+$0xFFFFFFE0 ss:$0x1], $0xffff  }
0x76: {  	v19 =	vld.idx.msk [tilespmem:v0+s1+$0xFFFFFF10 ss:$0x1], $0xffff  }
0x77: {  	v21 =	vld.idx.msk [tilespmem:v0+s1+$0xFFFFFF20 ss:$0x1], $0xffff  }
0x78: {  	v18 =	vld.idx.msk [tilespmem:v0+s1+$0xFFFFFF30 ss:$0x1], $0xffff  }
0x79: {  	v20 =	vld.idx.msk [tilespmem:v0+s1+$0xFFFFFF40 ss:$0x1], $0xffff  }
0x7a: {  	v11 =	vimm.f32 $0.0e+00;
	v12 =	vimm.f32 $0.0e+00;
	v15 =	vld.idx.msk [tilespmem:v0+s1+$0xFFFFFF50 ss:$0x1], $0xffff  }
0x7b: {  	v13 =	vimm.f32 $0.0e+00;
	v14 =	vimm.f32 $0.0e+00;
	v8 =	vimm.f32 $0.0e+00;
	v16 =	vld.idx.msk [tilespmem:v0+s1+$0xFFFFFF60 ss:$0x1], $0xffff  }
0x7c: {  	s11 =	simm.s32 $0x400;
	v10 =	vimm.f32 $0.0e+00;
	v9 =	vimm.f32 $0.0e+00;
	v7 =	vimm.f32 $0.0e+00;
	v17 =	vld.idx.msk [tilespmem:v0+s1+$0xFFFFFF70 ss:$0x1], $0xffff  }
.LBB2_5:
0x7d: {  	p0 =	sne.s32 s11, $0x6000;
	v22 =	vld.idx.msk [tilespmem:v0+s1+$0xFFFFFF80 ss:$0x1], $0xffff  }
0x7e: {  	v11 =	vadd.f32 v19, v11;
	v12 =	vadd.f32 v21, v12;
	v19 =	vld.idx.msk [tilespmem:v0+s1+$0xFFFFFFF0 ss:$0x1], $0xffff  }
0x7f: {  	v13 =	vadd.f32 v18, v13;
	v14 =	vadd.f32 v20, v14;
	v18 =	vld.idx.msk [tilespmem:v0+s1+$0x0 ss:$0x1], $0xffff;
	s1 =	sshra.s32 s11, $0x2  }
0x80: {  	v11 =	vadd.f32 v3, v11;
	v12 =	vadd.f32 v4, v12;
	v3 =	vld.idx.msk [tilespmem:v0+s1+$0xFFFFFF90 ss:$0x1], $0xffff  }
0x81: {  	v13 =	vadd.f32 v5, v13;
	v14 =	vadd.f32 v6, v14;
	v4 =	vld.idx.msk [tilespmem:v0+s1+$0xFFFFFFA0 ss:$0x1], $0xffff  }
0x82: {  	v7 =	vadd.f32 v15, v7;
	v8 =	vadd.f32 v16, v8;
	v5 =	vld.idx.msk [tilespmem:v0+s1+$0xFFFFFFB0 ss:$0x1], $0xffff  }
0x83: {  	v10 =	vadd.f32 v17, v10;
	v9 =	vadd.f32 v22, v9;
	v6 =	vld.idx.msk [tilespmem:v0+s1+$0xFFFFFFC0 ss:$0x1], $0xffff  }
0x84: {  	v7 =	vadd.f32 v1, v7;
	v8 =	vadd.f32 v2, v8;
	v1 =	vld.idx.msk [tilespmem:v0+s1+$0xFFFFFFD0 ss:$0x1], $0xffff  }
0x85: {  	v10 =	vadd.f32 v19, v10;
	v9 =	vadd.f32 v18, v9;
	v2 =	vld.idx.msk [tilespmem:v0+s1+$0xFFFFFFE0 ss:$0x1], $0xffff  }
0x86: {  	v19 =	vld.idx.msk [tilespmem:v0+s1+$0xFFFFFF10 ss:$0x1], $0xffff  }
0x87: {  	v21 =	vld.idx.msk [tilespmem:v0+s1+$0xFFFFFF20 ss:$0x1], $0xffff  }
.Ltmp1:
0x88: {  	v18 =	vld.idx.msk [tilespmem:v0+s1+$0xFFFFFF30 ss:$0x1], $0xffff;
	(pc) =	sbr.rel @p0 .LBB2_5-.Ltmp1, $4  }
0x89: {  	v20 =	vld.idx.msk [tilespmem:v0+s1+$0xFFFFFF40 ss:$0x1], $0xffff  }
0x8a: {  	v15 =	vld.idx.msk [tilespmem:v0+s1+$0xFFFFFF50 ss:$0x1], $0xffff  }
0x8b: {  	v16 =	vld.idx.msk [tilespmem:v0+s1+$0xFFFFFF60 ss:$0x1], $0xffff  }
0x8c: {  	s11 =	sadd.s32 $0x400, s11;
	v17 =	vld.idx.msk [tilespmem:v0+s1+$0xFFFFFF70 ss:$0x1], $0xffff  }
0x8d: {  	_ =	sdelay $0x3  }
0x8e: {  	v22 =	vld.idx.msk [tilespmem:v0+s1+$0xFFFFFF80 ss:$0x1], $0xffff;
	v11 =	vadd.f32 v19, v11;
	v12 =	vadd.f32 v21, v12  }
0x8f: {  	v19 =	vld.idx.msk [tilespmem:v0+s1+$0xFFFFFFF0 ss:$0x1], $0xffff;
	v13 =	vadd.f32 v18, v13;
	v14 =	vadd.f32 v20, v14  }
0x90: {  	v0 =	vld.idx.msk [tilespmem:v0+s1+$0x0 ss:$0x1], $0xffff;
	v3 =	vadd.f32 v3, v11;
	v4 =	vadd.f32 v4, v12  }
0x91: {  	v5 =	vadd.f32 v5, v13;
	v7 =	vadd.f32 v15, v7  }
0x92: {  	v6 =	vadd.f32 v6, v14;
	v10 =	vadd.f32 v17, v10  }
0x93: {  	v8 =	vadd.f32 v16, v8;
	v9 =	vadd.f32 v22, v9  }
0x94: {  	v1 =	vadd.f32 v1, v7;
	v7 =	vadd.f32 v19, v10  }
0x95: {  	v2 =	vadd.f32 v2, v8;
	v0 =	vadd.f32 v0, v9  }
0x96: {  	v3 =	vadd.f32 v5, v3;
	v1 =	vadd.f32 v7, v1  }
0x97: {  	v4 =	vadd.f32 v6, v4;
	v0 =	vadd.f32 v0, v2  }
0x98: {  	s0 =	sadd.s32 $0x3930, s0;
	v1 =	vadd.f32 v1, v3  }
0x99: {  	v2 =	vadd.f32 v0, v4;
	v0 =	vmov s0  }
0x9a: {  	v1 =	vmul.f32 $4.999999890e-03, v1  }
0x9b: {  	v2 =	vmul.f32 $4.999999890e-03, v2  }
0x9c: {  	[tilespmem:$0xCE60] =	vst v1  }
0x9d: {  	s0 =	simm.s32 $0x0;
	[tilespmem:$0xCE70] =	vst v2  }
0x9e: {  	v3 =	vld.idx.msk [tilespmem:v0+s0+$0xFFFFFF90 ss:$0x1], $0xffff  }
0x9f: {  	v4 =	vld.idx.msk [tilespmem:v0+s0+$0xFFFFFFA0 ss:$0x1], $0xffff  }
0xa0: {  	v5 =	vld.idx.msk [tilespmem:v0+s0+$0xFFFFFFB0 ss:$0x1], $0xffff  }
0xa1: {  	v6 =	vld.idx.msk [tilespmem:v0+s0+$0xFFFFFFC0 ss:$0x1], $0xffff  }
0xa2: {  	v1 =	vld.idx.msk [tilespmem:v0+s0+$0xFFFFFFD0 ss:$0x1], $0xffff  }
0xa3: {  	v2 =	vld.idx.msk [tilespmem:v0+s0+$0xFFFFFFE0 ss:$0x1], $0xffff  }
0xa4: {  	v19 =	vld.idx.msk [tilespmem:v0+s0+$0xFFFFFF10 ss:$0x1], $0xffff  }
0xa5: {  	v21 =	vld.idx.msk [tilespmem:v0+s0+$0xFFFFFF20 ss:$0x1], $0xffff  }
0xa6: {  	v18 =	vld.idx.msk [tilespmem:v0+s0+$0xFFFFFF30 ss:$0x1], $0xffff  }
0xa7: {  	v20 =	vld.idx.msk [tilespmem:v0+s0+$0xFFFFFF40 ss:$0x1], $0xffff  }
0xa8: {  	v11 =	vimm.f32 $0.0e+00;
	v12 =	vimm.f32 $0.0e+00;
	v15 =	vld.idx.msk [tilespmem:v0+s0+$0xFFFFFF50 ss:$0x1], $0xffff  }
0xa9: {  	v13 =	vimm.f32 $0.0e+00;
	v14 =	vimm.f32 $0.0e+00;
	v8 =	vimm.f32 $0.0e+00;
	v16 =	vld.idx.msk [tilespmem:v0+s0+$0xFFFFFF60 ss:$0x1], $0xffff  }
0xaa: {  	s1 =	simm.s32 $0x400;
	v10 =	vimm.f32 $0.0e+00;
	v9 =	vimm.f32 $0.0e+00;
	v7 =	vimm.f32 $0.0e+00;
	v17 =	vld.idx.msk [tilespmem:v0+s0+$0xFFFFFF70 ss:$0x1], $0xffff  }
.LBB2_7:
0xab: {  	p0 =	sne.s32 s1, $0x6000;
	v22 =	vld.idx.msk [tilespmem:v0+s0+$0xFFFFFF80 ss:$0x1], $0xffff  }
0xac: {  	v11 =	vadd.f32 v19, v11;
	v12 =	vadd.f32 v21, v12;
	v19 =	vld.idx.msk [tilespmem:v0+s0+$0xFFFFFFF0 ss:$0x1], $0xffff  }
0xad: {  	v13 =	vadd.f32 v18, v13;
	v14 =	vadd.f32 v20, v14;
	v18 =	vld.idx.msk [tilespmem:v0+s0+$0x0 ss:$0x1], $0xffff;
	s0 =	sshra.s32 s1, $0x2  }
0xae: {  	v11 =	vadd.f32 v3, v11;
	v12 =	vadd.f32 v4, v12;
	v3 =	vld.idx.msk [tilespmem:v0+s0+$0xFFFFFF90 ss:$0x1], $0xffff  }
0xaf: {  	v13 =	vadd.f32 v5, v13;
	v14 =	vadd.f32 v6, v14;
	v4 =	vld.idx.msk [tilespmem:v0+s0+$0xFFFFFFA0 ss:$0x1], $0xffff  }
0xb0: {  	v7 =	vadd.f32 v15, v7;
	v8 =	vadd.f32 v16, v8;
	v5 =	vld.idx.msk [tilespmem:v0+s0+$0xFFFFFFB0 ss:$0x1], $0xffff  }
0xb1: {  	v10 =	vadd.f32 v17, v10;
	v9 =	vadd.f32 v22, v9;
	v6 =	vld.idx.msk [tilespmem:v0+s0+$0xFFFFFFC0 ss:$0x1], $0xffff  }
0xb2: {  	v7 =	vadd.f32 v1, v7;
	v8 =	vadd.f32 v2, v8;
	v1 =	vld.idx.msk [tilespmem:v0+s0+$0xFFFFFFD0 ss:$0x1], $0xffff  }
0xb3: {  	v10 =	vadd.f32 v19, v10;
	v9 =	vadd.f32 v18, v9;
	v2 =	vld.idx.msk [tilespmem:v0+s0+$0xFFFFFFE0 ss:$0x1], $0xffff  }
0xb4: {  	v19 =	vld.idx.msk [tilespmem:v0+s0+$0xFFFFFF10 ss:$0x1], $0xffff  }
0xb5: {  	v21 =	vld.idx.msk [tilespmem:v0+s0+$0xFFFFFF20 ss:$0x1], $0xffff  }
.Ltmp2:
0xb6: {  	v18 =	vld.idx.msk [tilespmem:v0+s0+$0xFFFFFF30 ss:$0x1], $0xffff;
	(pc) =	sbr.rel @p0 .LBB2_7-.Ltmp2, $4  }
0xb7: {  	v20 =	vld.idx.msk [tilespmem:v0+s0+$0xFFFFFF40 ss:$0x1], $0xffff  }
0xb8: {  	v15 =	vld.idx.msk [tilespmem:v0+s0+$0xFFFFFF50 ss:$0x1], $0xffff  }
0xb9: {  	v16 =	vld.idx.msk [tilespmem:v0+s0+$0xFFFFFF60 ss:$0x1], $0xffff  }
0xba: {  	s1 =	sadd.s32 $0x400, s1;
	v17 =	vld.idx.msk [tilespmem:v0+s0+$0xFFFFFF70 ss:$0x1], $0xffff  }
0xbb: {  	_ =	sdelay $0x3  }
0xbc: {  	v22 =	vld.idx.msk [tilespmem:v0+s0+$0xFFFFFF80 ss:$0x1], $0xffff;
	v11 =	vadd.f32 v19, v11;
	v12 =	vadd.f32 v21, v12  }
0xbd: {  	v19 =	vld.idx.msk [tilespmem:v0+s0+$0xFFFFFFF0 ss:$0x1], $0xffff;
	v13 =	vadd.f32 v18, v13;
	v14 =	vadd.f32 v20, v14  }
0xbe: {  	v0 =	vld.idx.msk [tilespmem:v0+s0+$0x0 ss:$0x1], $0xffff;
	v3 =	vadd.f32 v3, v11;
	v4 =	vadd.f32 v4, v12  }
0xbf: {  	v5 =	vadd.f32 v5, v13;
	v7 =	vadd.f32 v15, v7  }
0xc0: {  	v6 =	vadd.f32 v6, v14;
	v10 =	vadd.f32 v17, v10  }
0xc1: {  	v8 =	vadd.f32 v16, v8;
	v9 =	vadd.f32 v22, v9  }
0xc2: {  	v1 =	vadd.f32 v1, v7;
	v7 =	vadd.f32 v19, v10  }
0xc3: {  	v2 =	vadd.f32 v2, v8;
	v0 =	vadd.f32 v0, v9  }
0xc4: {  	v3 =	vadd.f32 v5, v3;
	v1 =	vadd.f32 v7, v1  }
0xc5: {  	v4 =	vadd.f32 v6, v4;
	v0 =	vadd.f32 v0, v2  }
0xc6: {  	v1 =	vadd.f32 v1, v3  }
0xc7: {  	v2 =	vadd.f32 v0, v4;
	v0 =	vmov s31  }
0xc8: {  	v1 =	vmul.f32 $4.999999890e-03, v1  }
0xc9: {  	v2 =	vmul.f32 $4.999999890e-03, v2  }
0xca: {  	[tilespmem:$0xCE80] =	vst v1  }
0xcb: {  	s0 =	simm.s32 $0x0;
	[tilespmem:$0xCE90] =	vst v2  }
0xcc: {  	v3 =	vld.idx.msk [tilespmem:v0+s0+$0x4B80 ss:$0x1], $0xffff  }
0xcd: {  	v4 =	vld.idx.msk [tilespmem:v0+s0+$0x4B90 ss:$0x1], $0xffff  }
0xce: {  	v5 =	vld.idx.msk [tilespmem:v0+s0+$0x4BA0 ss:$0x1], $0xffff  }
0xcf: {  	v6 =	vld.idx.msk [tilespmem:v0+s0+$0x4BB0 ss:$0x1], $0xffff  }
0xd0: {  	v1 =	vld.idx.msk [tilespmem:v0+s0+$0x4BC0 ss:$0x1], $0xffff  }
0xd1: {  	v2 =	vld.idx.msk [tilespmem:v0+s0+$0x4BD0 ss:$0x1], $0xffff  }
0xd2: {  	v19 =	vld.idx.msk [tilespmem:v0+s0+$0x4B00 ss:$0x1], $0xffff  }
0xd3: {  	v21 =	vld.idx.msk [tilespmem:v0+s0+$0x4B10 ss:$0x1], $0xffff  }
0xd4: {  	v18 =	vld.idx.msk [tilespmem:v0+s0+$0x4B20 ss:$0x1], $0xffff  }
0xd5: {  	v20 =	vld.idx.msk [tilespmem:v0+s0+$0x4B30 ss:$0x1], $0xffff  }
0xd6: {  	v11 =	vimm.f32 $0.0e+00;
	v12 =	vimm.f32 $0.0e+00;
	v15 =	vld.idx.msk [tilespmem:v0+s0+$0x4B40 ss:$0x1], $0xffff  }
0xd7: {  	v13 =	vimm.f32 $0.0e+00;
	v14 =	vimm.f32 $0.0e+00;
	v8 =	vimm.f32 $0.0e+00;
	v16 =	vld.idx.msk [tilespmem:v0+s0+$0x4B50 ss:$0x1], $0xffff  }
0xd8: {  	s1 =	simm.s32 $0x400;
	v10 =	vimm.f32 $0.0e+00;
	v9 =	vimm.f32 $0.0e+00;
	v7 =	vimm.f32 $0.0e+00;
	v17 =	vld.idx.msk [tilespmem:v0+s0+$0x4B60 ss:$0x1], $0xffff  }
.LBB2_9:
0xd9: {  	p0 =	sne.s32 s1, $0x6000;
	v22 =	vld.idx.msk [tilespmem:v0+s0+$0x4B70 ss:$0x1], $0xffff  }
0xda: {  	v11 =	vadd.f32 v19, v11;
	v12 =	vadd.f32 v21, v12;
	v19 =	vld.idx.msk [tilespmem:v0+s0+$0x4BE0 ss:$0x1], $0xffff  }
0xdb: {  	v13 =	vadd.f32 v18, v13;
	v14 =	vadd.f32 v20, v14;
	v18 =	vld.idx.msk [tilespmem:v0+s0+$0x4BF0 ss:$0x1], $0xffff;
	s0 =	sshra.s32 s1, $0x2  }
0xdc: {  	v11 =	vadd.f32 v3, v11;
	v12 =	vadd.f32 v4, v12;
	v3 =	vld.idx.msk [tilespmem:v0+s0+$0x4B80 ss:$0x1], $0xffff  }
0xdd: {  	v13 =	vadd.f32 v5, v13;
	v14 =	vadd.f32 v6, v14;
	v4 =	vld.idx.msk [tilespmem:v0+s0+$0x4B90 ss:$0x1], $0xffff  }
0xde: {  	v7 =	vadd.f32 v15, v7;
	v8 =	vadd.f32 v16, v8;
	v5 =	vld.idx.msk [tilespmem:v0+s0+$0x4BA0 ss:$0x1], $0xffff  }
0xdf: {  	v10 =	vadd.f32 v17, v10;
	v9 =	vadd.f32 v22, v9;
	v6 =	vld.idx.msk [tilespmem:v0+s0+$0x4BB0 ss:$0x1], $0xffff  }
0xe0: {  	v7 =	vadd.f32 v1, v7;
	v8 =	vadd.f32 v2, v8;
	v1 =	vld.idx.msk [tilespmem:v0+s0+$0x4BC0 ss:$0x1], $0xffff  }
0xe1: {  	v10 =	vadd.f32 v19, v10;
	v9 =	vadd.f32 v18, v9;
	v2 =	vld.idx.msk [tilespmem:v0+s0+$0x4BD0 ss:$0x1], $0xffff  }
0xe2: {  	v19 =	vld.idx.msk [tilespmem:v0+s0+$0x4B00 ss:$0x1], $0xffff  }
0xe3: {  	v21 =	vld.idx.msk [tilespmem:v0+s0+$0x4B10 ss:$0x1], $0xffff  }
.Ltmp3:
0xe4: {  	v18 =	vld.idx.msk [tilespmem:v0+s0+$0x4B20 ss:$0x1], $0xffff;
	(pc) =	sbr.rel @p0 .LBB2_9-.Ltmp3, $4  }
0xe5: {  	v20 =	vld.idx.msk [tilespmem:v0+s0+$0x4B30 ss:$0x1], $0xffff  }
0xe6: {  	v15 =	vld.idx.msk [tilespmem:v0+s0+$0x4B40 ss:$0x1], $0xffff  }
0xe7: {  	v16 =	vld.idx.msk [tilespmem:v0+s0+$0x4B50 ss:$0x1], $0xffff  }
0xe8: {  	s1 =	sadd.s32 $0x400, s1;
	v17 =	vld.idx.msk [tilespmem:v0+s0+$0x4B60 ss:$0x1], $0xffff  }
0xe9: {  	_ =	sdelay $0x3  }
0xea: {  	v22 =	vld.idx.msk [tilespmem:v0+s0+$0x4B70 ss:$0x1], $0xffff;
	v11 =	vadd.f32 v19, v11;
	v12 =	vadd.f32 v21, v12  }
0xeb: {  	v61 =	vld.idx.msk [tilespmem:v0+s0+$0x4BE0 ss:$0x1], $0xffff;
	v13 =	vadd.f32 v18, v13;
	v14 =	vadd.f32 v20, v14  }
0xec: {  	v62 =	vld.idx.msk [tilespmem:v0+s0+$0x4BF0 ss:$0x1], $0xffff;
	v3 =	vadd.f32 v3, v11;
	v4 =	vadd.f32 v4, v12  }
0xed: {  	v5 =	vadd.f32 v5, v13;
	v7 =	vadd.f32 v15, v7  }
0xee: {  	v6 =	vadd.f32 v6, v14;
	v10 =	vadd.f32 v17, v10  }
0xef: {  	v8 =	vadd.f32 v16, v8;
	v9 =	vadd.f32 v22, v9  }
0xf0: {  	v1 =	vadd.f32 v1, v7;
	v63 =	vadd.f32 v61, v10  }
0xf1: {  	v2 =	vadd.f32 v2, v8;
	v0 =	vadd.f32 v62, v9  }
0xf2: {  	v3 =	vadd.f32 v5, v3;
	v1 =	vadd.f32 v63, v1  }
0xf3: {  	v4 =	vadd.f32 v6, v4;
	v0 =	vadd.f32 v0, v2  }
0xf4: {  	v1 =	vadd.f32 v1, v3  }
0xf5: {  	v0 =	vadd.f32 v0, v4  }
0xf6: {  	v1 =	vmul.f32 $4.999999890e-03, v1  }
0xf7: {  	s31 =	sshll.u32 s30, $0x4;
	s30 =	sadd.s32 $0x1, s30;
	v0 =	vmul.f32 $4.999999890e-03, v0  }
0xf8: {  	p0 =	sne.s32 s30, $0x80;
	[tilespmem:$0xCEA0] =	vst v1  }
.Ltmp4:
0xf9: {  	s0 =	sadd.s32 s31, s7;
	[tilespmem:$0xCEB0] =	vst v0;
	(pc) =	sbr.rel @p0 .LBB2_2-.Ltmp4, $4  }
0xfa: {  	[hbm4b:s0+s2] =	stream.linear.scatter [tilespmem:s28], [sflag:$0x2], $0x80, $0x38;
	[tilespmem:$0xCEC0] =	vst v63  }
0xfb: {  	_ =	swait.ge [sflag:s9], $0x80  }
0xfc: {  	[sflag:s9] =	ssyncset.done $0x0  }
0xfd: {  	[sflag:s9] =	ssyncadd.s32 $0xFFFFFF80  }
0xfe: {  	s29 =	sadd.s32 $0x1, s29  }
0xff: {  	p0 =	sne.s32 s29, s8  }
.Ltmp5:
0x100: {  	_ = 	snop;
	(pc) =	sbr.rel @p0 .LBB2_1-.Ltmp5, $1  }
0x101: {  	_ =	sdelay $0x3  }
0x102: {  	_ =	sfence.sel $0x180000  }
0x103: {  	[bflag:$0x0] =	sbarrier.arrive $0xFFFF  }
0x104: {  	_ =	strace $0x90000047  }
0x105: {  	s0 =	stileid.u32;
	[bflag:$0x2] =	sbarrier.arrive $0xFFFF  }
0x106: {  	p0 =	sne.s32 s0, $0x0;
	s0 =	rddreg [dreg:$0x1]  }
0x107: {  	s0 =	sadd.s32 @!p0 $0x100000, s0  }
0x108: {  	[sflag:s0] =	ssyncadd.tile.s32 @!p0 $0x1;
	_ =	shalt  }
.Lfunc_end2:
_tile_overlayer_lowered:
.L_overlay_start_2:
0x109: {  	(tag) =	ssettag $0x2  }
0x10a: {  	s0 =	rddreg [dreg:$0x0];
	s2 =	stileid.u32  }
0x10b: {  	s1 =	rddreg [dreg:$0x1];
	p0 =	sne.s32 s2, $0x0  }
0x10c: {  	s3 =	rddreg [dreg:$0x2];
	[bflag:$0x3] =	sbarrier.arrive $0xFFFF;
	s2 =	simm.s32 @!p0 $0x1C02  }
0x10d: {  	[timem:s3], [sflag:s2] =	dma.local @!p0 [hbm:s0], s1  }
0x10e: {  	s0 =	simm.s32 @!p0 $0x2  }
0x10f: {  	_ =	swait.ge @!p0 [sflag:s0], s1  }
0x110: {  	s1 =	ssub.s32 @!p0 $0x0, s1;
	[sflag:s0] =	ssyncset.done @!p0 $0x0  }
0x111: {  	[sflag:s0] =	ssyncadd.s32 @!p0 s1  }
0x112: {  	[bflag:$0x3] =	sbarrier.arrive $0xFFFF  }
0x113: {  	_ =	shalt  }

</sc_bundles>
